<compile_context>
chip_gen: v7x
topology: tpu7x:2x2x1
jax: 0.10.2.dev20260603
libtpu: 0.0.44.dev20260713+nightly
codegen_flags: <defaults>
</compile_context>

<pallas_src>
import functools

import jax
import jax.numpy as jnp
from jax import lax
from jax.experimental import pallas as pl
from jax.experimental.pallas import tpu as pltpu
from jax.experimental.pallas import tpu_sc as plsc

B = 4096
T = 200
D = 128
NBUF = 3

_INFO = plsc.get_sparse_core_info()
NC = _INFO.num_cores
NS = _INFO.num_subcores
NW = NC * NS
BPW = B // NW

_MESH = plsc.VectorSubcoreMesh(core_axis_name="c", subcore_axis_name="s")


@functools.partial(
    pl.kernel,
    mesh=_MESH,
    out_type=jax.ShapeDtypeStruct((B, T, D), jnp.float32),
    scratch_types=[
        pltpu.VMEM((BPW,), jnp.int32),
        pltpu.VMEM((BPW, D), jnp.float32),
        pltpu.VMEM((NBUF, T, D), jnp.float32),
    ] + [pltpu.SemaphoreType.DMA] * (NBUF + 1),
)
def _sc_expand(t_hbm, table_hbm, out_hbm, idx_v, rows_v, exp_v, gsem, *sems):
    wid = lax.axis_index("s") * NC + lax.axis_index("c")
    base = wid * BPW
    pltpu.sync_copy(t_hbm.at[pl.ds(base, BPW)], idx_v)
    pltpu.async_copy(table_hbm.at[idx_v], rows_v, gsem).wait()

    def _build(buf, b):
        vecs = [rows_v[b, pl.ds(k * 16, 16)] for k in range(D // 16)]

        def fill(j2, _):
            for u in range(2):
                for k in range(D // 16):
                    exp_v[buf, j2 * 2 + u, pl.ds(k * 16, 16)] = vecs[k]
            return 0

        lax.fori_loop(0, T // 2, fill, 0)

    def _start(buf, b):
        pltpu.async_copy(exp_v.at[buf], out_hbm.at[base + b], sems[buf])

    def _wait(buf):
        pltpu.make_async_copy(exp_v.at[buf], out_hbm.at[base], sems[buf]).wait()

    def body(grp, _):
        for buf in range(NBUF):
            b = grp * NBUF + buf

            @pl.when(grp > 0)
            def _():
                _wait(buf)

            _build(buf, b)
            _start(buf, b)
        return 0

    lax.fori_loop(0, BPW // NBUF, body, 0)
    for i in range(BPW % NBUF):
        b = (BPW // NBUF) * NBUF + i
        _wait(i)
        _build(i, b)
        _start(i, b)
    for buf in range(NBUF):
        _wait(buf)


def kernel(t, n_tokens, table):
    del n_tokens
    return _sc_expand(t, table)

# --- scband reference (transcript-rebuilt; emitter-appended) ---
"""Pipeline reference for scband-timestep-embedding-31275951850244 (READ-ONLY COPY).

The authoritative reference and input builder live on the scoring server;
editing this copy changes nothing except your own understanding.
"""

import jax, jax.numpy as jnp
import numpy as np


def setup_inputs(seed: int = 0) -> dict:
    key = jax.random.key(seed)
    k1, k2 = jax.random.split(key)
    t = jax.random.randint(k1, (4096,), 0, 60, dtype=jnp.int64 if jax.config.read('jax_enable_x64') else jnp.int32)
    table = jax.random.normal(k2, (60, 128), dtype=jnp.float32)
    return {"t": t, "n_tokens": 200, "table": table}


def reference(t, n_tokens, table):
    # emb = self.embed(t) -> gather rows of the embedding table
    emb = jnp.take(table, t, axis=0)  # [B, d_model]
    # emb.unsqueeze(1).expand(-1, n_tokens, -1)
    n_tokens_static = 200
    out = jnp.broadcast_to(emb[:, None, :], (emb.shape[0], n_tokens_static, emb.shape[1]))
    out = out + (jnp.asarray(n_tokens) * 0).astype(out.dtype)
    return out

if __name__ == "__main__":
    import jax
    _d = setup_inputs()
    print(jax.jit(kernel)(*tuple(_d.values())))

</pallas_src>

<mosaic_0001>
#map = affine_map<(d0, d1) -> (0)>
#map1 = affine_map<(d0, d1) -> (0, 0)>
#map2 = affine_map<(d0, d1) -> (0, 0, 0)>
module attributes {stable_mosaic.version = 14 : i64} {
  func.func @_sc_expand(%arg0: i32, %arg1: i32, %arg2: memref<4096xi32, #tpu.memory_space<hbm>>, %arg3: memref<60x128xf32, #tpu.memory_space<hbm>>, %arg4: memref<4096x200x128xf32, #tpu.memory_space<hbm>>, %arg5: memref<128xi32, #tpu.memory_space<vmem>>, %arg6: memref<128x128xf32, #tpu.memory_space<vmem>>, %arg7: memref<3x200x128xf32, #tpu.memory_space<vmem>>, %arg8: memref<!tpu.dma_semaphore, #tpu.memory_space<semaphore_mem>>, %arg9: memref<!tpu.dma_semaphore, #tpu.memory_space<semaphore_mem>>, %arg10: memref<!tpu.dma_semaphore, #tpu.memory_space<semaphore_mem>>, %arg11: memref<!tpu.dma_semaphore, #tpu.memory_space<semaphore_mem>>) attributes {dimension_semantics = [#tpu.dimension_semantics<core_parallel>, #tpu.dimension_semantics<subcore_parallel>], iteration_bounds = array<i64: 2, 16>, scalar_prefetch = 0 : i64, scratch_operands = 7 : i64, tpu.core_type = #tpu.core_type<sc_vector_subcore>, window_params = [{transform_indices = #map}, {transform_indices = #map1}, {transform_indices = #map2}]} {
    %mul3A = arith.constant 2 : i32
    %mul3A_0 = arith.muli %arg1, %mul3A : i32
    %add3A = arith.addi %mul3A_0, %arg0 : i32
    %mul3A_1 = arith.constant 128 : i32
    %mul3A_2 = arith.muli %add3A, %mul3A_1 : i32
    "tpu.region"() ({
      %run_scoped3A = tpu.sem_alloc : memref<!tpu.dma_semaphore, #tpu.memory_space<semaphore_mem>>
      %dma_start3A_229 = tpu.memref_slice %arg2[%mul3A_2] : memref<4096xi32, #tpu.memory_space<hbm>> -> memref<128xi32, #tpu.memory_space<hbm>>
      %dma_start3A_230 = tpu.memref_slice %arg2[%mul3A_2] : memref<4096xi32, #tpu.memory_space<hbm>> -> memref<128xi32, #tpu.memory_space<hbm>>
      tpu.enqueue_dma source(%dma_start3A_230 : memref<128xi32, #tpu.memory_space<hbm>>) target(%arg5 : memref<128xi32, #tpu.memory_space<vmem>>) target_semaphore(%run_scoped3A : memref<!tpu.dma_semaphore, #tpu.memory_space<semaphore_mem>>)
      %dma_wait3A_231 = tpu.memref_slice %arg2[%mul3A_2] : memref<4096xi32, #tpu.memory_space<hbm>> -> memref<128xi32, #tpu.memory_space<hbm>>
      %dma_wait3A_232 = tpu.memref_slice %arg2[%mul3A_2] : memref<4096xi32, #tpu.memory_space<hbm>> -> memref<128xi32, #tpu.memory_space<hbm>>
      tpu.wait_dma2 semaphore(%run_scoped3A : memref<!tpu.dma_semaphore, #tpu.memory_space<semaphore_mem>>) src(%dma_wait3A_232 : memref<128xi32, #tpu.memory_space<hbm>>) dst(%arg5 : memref<128xi32, #tpu.memory_space<vmem>>)
      tpu.yield
    }) : () -> ()
    %dma_start3A = arith.constant 0 : i32
    %dma_start3A_3 = arith.constant 0 : i32
    %dma_start3A_4 = tpu.memref_slice %arg3[%dma_start3A, %dma_start3A_3] : memref<60x128xf32, #tpu.memory_space<hbm>> -> memref<60x128xf32, #tpu.memory_space<hbm>>
    tpu.enqueue_indirect_dma source(%dma_start3A_4 : memref<60x128xf32, #tpu.memory_space<hbm>>) target(%arg6 : memref<128x128xf32, #tpu.memory_space<vmem>>) offsets(%arg5 : memref<128xi32, #tpu.memory_space<vmem>>) semaphore(%arg8 : memref<!tpu.dma_semaphore, #tpu.memory_space<semaphore_mem>>)
    %dma_wait3A = arith.constant 0 : i32
    %dma_wait3A_5 = arith.constant 0 : i32
    %dma_wait3A_6 = tpu.memref_slice %arg3[%dma_wait3A, %dma_wait3A_5] : memref<60x128xf32, #tpu.memory_space<hbm>> -> memref<60x128xf32, #tpu.memory_space<hbm>>
    tpu.wait_indirect_dma semaphore(%arg8 : memref<!tpu.dma_semaphore, #tpu.memory_space<semaphore_mem>>) src(%dma_wait3A_6 : memref<60x128xf32, #tpu.memory_space<hbm>>) dst(%arg6 : memref<128x128xf32, #tpu.memory_space<vmem>>)
    %scan3A = arith.constant 0 : i32
    %scan3A_7 = arith.constant 0 : i32
    %scan3A_8 = arith.constant 42 : i32
    %scan3A_9 = arith.addi %scan3A_7, %scan3A_8 : i32
    %scan3A_10 = arith.constant 1 : i32
    %scan3A_11 = scf.for %scan3A_229 = %scan3A_7 to %scan3A_9 step %scan3A_10 iter_args(%scan3A_230 = %scan3A) -> (i32)  : i32 {
      %mul3A_231 = arith.constant 3 : i32
      %mul3A_232 = arith.muli %scan3A_229, %mul3A_231 : i32
      %add3A_233 = arith.constant 0 : i32
      %add3A_234 = arith.addi %mul3A_232, %add3A_233 : i32
      %gt3A = arith.constant 0 : i32
      %gt3A_235 = arith.cmpi sgt, %scan3A_229, %gt3A : i32
      %convert_element_type3A = arith.extui %gt3A_235 : i1 to i32
      %cond3A = arith.constant 0 : i32
      %cond3A_236 = arith.cmpi ne, %convert_element_type3A, %cond3A : i32
      scf.if %cond3A_236 {
        %dma_wait3A_427 = arith.constant 0 : i32
        %dma_wait3A_428 = arith.constant 0 : i32
        %dma_wait3A_429 = arith.constant 0 : i32
        %dma_wait3A_430 = tpu.memref_slice %arg7[%dma_wait3A_427, %dma_wait3A_428, %dma_wait3A_429] : memref<3x200x128xf32, #tpu.memory_space<vmem>> -> memref<1x200x128xf32, #tpu.memory_space<vmem>>
        %dma_wait3A_431 = tpu.memref_squeeze %dma_wait3A_430 : memref<1x200x128xf32, #tpu.memory_space<vmem>> -> memref<200x128xf32, #tpu.memory_space<vmem>>
        %dma_wait3A_432 = arith.constant 0 : i32
        %dma_wait3A_433 = arith.constant 0 : i32
        %dma_wait3A_434 = tpu.memref_slice %arg4[%mul3A_2, %dma_wait3A_432, %dma_wait3A_433] : memref<4096x200x128xf32, #tpu.memory_space<hbm>> -> memref<1x200x128xf32, #tpu.memory_space<hbm>>
        %dma_wait3A_435 = tpu.memref_squeeze %dma_wait3A_434 : memref<1x200x128xf32, #tpu.memory_space<hbm>> -> memref<200x128xf32, #tpu.memory_space<hbm>>
        %dma_wait3A_436 = arith.constant 0 : i32
        %dma_wait3A_437 = arith.constant 0 : i32
        %dma_wait3A_438 = tpu.memref_slice %arg4[%mul3A_2, %dma_wait3A_436, %dma_wait3A_437] : memref<4096x200x128xf32, #tpu.memory_space<hbm>> -> memref<1x200x128xf32, #tpu.memory_space<hbm>>
        %dma_wait3A_439 = tpu.memref_squeeze %dma_wait3A_438 : memref<1x200x128xf32, #tpu.memory_space<hbm>> -> memref<200x128xf32, #tpu.memory_space<hbm>>
        %dma_wait3A_440 = arith.constant 0 : i32
        %dma_wait3A_441 = arith.constant 0 : i32
        %dma_wait3A_442 = tpu.memref_slice %arg7[%dma_wait3A_427, %dma_wait3A_440, %dma_wait3A_441] : memref<3x200x128xf32, #tpu.memory_space<vmem>> -> memref<1x200x128xf32, #tpu.memory_space<vmem>>
        %dma_wait3A_443 = tpu.memref_squeeze %dma_wait3A_442 : memref<1x200x128xf32, #tpu.memory_space<vmem>> -> memref<200x128xf32, #tpu.memory_space<vmem>>
        tpu.wait_dma2 semaphore(%arg9 : memref<!tpu.dma_semaphore, #tpu.memory_space<semaphore_mem>>) src(%dma_wait3A_443 : memref<200x128xf32, #tpu.memory_space<vmem>>) dst(%dma_wait3A_439 : memref<200x128xf32, #tpu.memory_space<hbm>>)
      } else {
      }
      %get3A_237 = arith.index_cast %add3A_234 : i32 to index
      %get3A_238 = arith.constant 0 : index
      %get3A_239 = tpu.vector_load %arg6[%get3A_237, %get3A_238] {strides = array<i32>} : memref<128x128xf32, #tpu.memory_space<vmem>>, vector<1x16xf32>,
      %get3A_240 = vector.shape_cast %get3A_239 : vector<1x16xf32> to vector<16xf32>
      %get3A_241 = arith.index_cast %add3A_234 : i32 to index
      %get3A_242 = arith.constant 16 : index
      %get3A_243 = tpu.vector_load %arg6[%get3A_241, %get3A_242] {strides = array<i32>} : memref<128x128xf32, #tpu.memory_space<vmem>>, vector<1x16xf32>,
      %get3A_244 = vector.shape_cast %get3A_243 : vector<1x16xf32> to vector<16xf32>
      %get3A_245 = arith.index_cast %add3A_234 : i32 to index
      %get3A_246 = arith.constant 32 : index
      %get3A_247 = tpu.vector_load %arg6[%get3A_245, %get3A_246] {strides = array<i32>} : memref<128x128xf32, #tpu.memory_space<vmem>>, vector<1x16xf32>,
      %get3A_248 = vector.shape_cast %get3A_247 : vector<1x16xf32> to vector<16xf32>
      %get3A_249 = arith.index_cast %add3A_234 : i32 to index
      %get3A_250 = arith.constant 48 : index
      %get3A_251 = tpu.vector_load %arg6[%get3A_249, %get3A_250] {strides = array<i32>} : memref<128x128xf32, #tpu.memory_space<vmem>>, vector<1x16xf32>,
      %get3A_252 = vector.shape_cast %get3A_251 : vector<1x16xf32> to vector<16xf32>
      %get3A_253 = arith.index_cast %add3A_234 : i32 to index
      %get3A_254 = arith.constant 64 : index
      %get3A_255 = tpu.vector_load %arg6[%get3A_253, %get3A_254] {strides = array<i32>} : memref<128x128xf32, #tpu.memory_space<vmem>>, vector<1x16xf32>,
      %get3A_256 = vector.shape_cast %get3A_255 : vector<1x16xf32> to vector<16xf32>
      %get3A_257 = arith.index_cast %add3A_234 : i32 to index
      %get3A_258 = arith.constant 80 : index
      %get3A_259 = tpu.vector_load %arg6[%get3A_257, %get3A_258] {strides = array<i32>} : memref<128x128xf32, #tpu.memory_space<vmem>>, vector<1x16xf32>,
      %get3A_260 = vector.shape_cast %get3A_259 : vector<1x16xf32> to vector<16xf32>
      %get3A_261 = arith.index_cast %add3A_234 : i32 to index
      %get3A_262 = arith.constant 96 : index
      %get3A_263 = tpu.vector_load %arg6[%get3A_261, %get3A_262] {strides = array<i32>} : memref<128x128xf32, #tpu.memory_space<vmem>>, vector<1x16xf32>,
      %get3A_264 = vector.shape_cast %get3A_263 : vector<1x16xf32> to vector<16xf32>
      %get3A_265 = arith.index_cast %add3A_234 : i32 to index
      %get3A_266 = arith.constant 112 : index
      %get3A_267 = tpu.vector_load %arg6[%get3A_265, %get3A_266] {strides = array<i32>} : memref<128x128xf32, #tpu.memory_space<vmem>>, vector<1x16xf32>,
      %get3A_268 = vector.shape_cast %get3A_267 : vector<1x16xf32> to vector<16xf32>
      %scan3A_269 = arith.constant 0 : i32
      %scan3A_270 = arith.constant 0 : i32
      %scan3A_271 = arith.constant 100 : i32
      %scan3A_272 = arith.addi %scan3A_270, %scan3A_271 : i32
      %scan3A_273 = arith.constant 1 : i32
      %scan3A_274 = scf.for %scan3A_427 = %scan3A_270 to %scan3A_272 step %scan3A_273 iter_args(%scan3A_428 = %scan3A_269) -> (i32)  : i32 {
        %mul3A_429 = arith.constant 2 : i32
        %mul3A_430 = arith.muli %scan3A_427, %mul3A_429 : i32
        %add3A_431 = arith.constant 0 : i32
        %add3A_432 = arith.addi %mul3A_430, %add3A_431 : i32
        %swap3A = arith.constant 0 : i32
        %swap3A_433 = arith.index_cast %swap3A : i32 to index
        %swap3A_434 = arith.index_cast %add3A_432 : i32 to index
        %swap3A_435 = arith.constant 0 : index
        %swap3A_436 = tpu.vector_load %arg7[%swap3A_433, %swap3A_434, %swap3A_435] {strides = array<i32>} : memref<3x200x128xf32, #tpu.memory_space<vmem>>, vector<1x1x16xf32>,
        %swap3A_437 = vector.shape_cast %swap3A_436 : vector<1x1x16xf32> to vector<16xf32>
        %swap3A_438 = vector.shape_cast %get3A_240 : vector<16xf32> to vector<1x1x16xf32>
        tpu.vector_store %arg7[%swap3A_433, %swap3A_434, %swap3A_435], %swap3A_438 {strides = array<i32>} : memref<3x200x128xf32, #tpu.memory_space<vmem>>, vector<1x1x16xf32>,
        %mul3A_439 = arith.constant 2 : i32
        %mul3A_440 = arith.muli %scan3A_427, %mul3A_439 : i32
        %add3A_441 = arith.constant 0 : i32
        %add3A_442 = arith.addi %mul3A_440, %add3A_441 : i32
        %swap3A_443 = arith.constant 0 : i32
        %swap3A_444 = arith.index_cast %swap3A_443 : i32 to index
        %swap3A_445 = arith.index_cast %add3A_442 : i32 to index
        %swap3A_446 = arith.constant 16 : index
        %swap3A_447 = tpu.vector_load %arg7[%swap3A_444, %swap3A_445, %swap3A_446] {strides = array<i32>} : memref<3x200x128xf32, #tpu.memory_space<vmem>>, vector<1x1x16xf32>,
        %swap3A_448 = vector.shape_cast %swap3A_447 : vector<1x1x16xf32> to vector<16xf32>
        %swap3A_449 = vector.shape_cast %get3A_244 : vector<16xf32> to vector<1x1x16xf32>
        tpu.vector_store %arg7[%swap3A_444, %swap3A_445, %swap3A_446], %swap3A_449 {strides = array<i32>} : memref<3x200x128xf32, #tpu.memory_space<vmem>>, vector<1x1x16xf32>,
        %mul3A_450 = arith.constant 2 : i32
        %mul3A_451 = arith.muli %scan3A_427, %mul3A_450 : i32
        %add3A_452 = arith.constant 0 : i32
        %add3A_453 = arith.addi %mul3A_451, %add3A_452 : i32
        %swap3A_454 = arith.constant 0 : i32
        %swap3A_455 = arith.index_cast %swap3A_454 : i32 to index
        %swap3A_456 = arith.index_cast %add3A_453 : i32 to index
        %swap3A_457 = arith.constant 32 : index
        %swap3A_458 = tpu.vector_load %arg7[%swap3A_455, %swap3A_456, %swap3A_457] {strides = array<i32>} : memref<3x200x128xf32, #tpu.memory_space<vmem>>, vector<1x1x16xf32>,
        %swap3A_459 = vector.shape_cast %swap3A_458 : vector<1x1x16xf32> to vector<16xf32>
        %swap3A_460 = vector.shape_cast %get3A_248 : vector<16xf32> to vector<1x1x16xf32>
        tpu.vector_store %arg7[%swap3A_455, %swap3A_456, %swap3A_457], %swap3A_460 {strides = array<i32>} : memref<3x200x128xf32, #tpu.memory_space<vmem>>, vector<1x1x16xf32>,
        %mul3A_461 = arith.constant 2 : i32
        %mul3A_462 = arith.muli %scan3A_427, %mul3A_461 : i32
        %add3A_463 = arith.constant 0 : i32
        %add3A_464 = arith.addi %mul3A_462, %add3A_463 : i32
        %swap3A_465 = arith.constant 0 : i32
        %swap3A_466 = arith.index_cast %swap3A_465 : i32 to index
        %swap3A_467 = arith.index_cast %add3A_464 : i32 to index
        %swap3A_468 = arith.constant 48 : index
        %swap3A_469 = tpu.vector_load %arg7[%swap3A_466, %swap3A_467, %swap3A_468] {strides = array<i32>} : memref<3x200x128xf32, #tpu.memory_space<vmem>>, vector<1x1x16xf32>,
        %swap3A_470 = vector.shape_cast %swap3A_469 : vector<1x1x16xf32> to vector<16xf32>
        %swap3A_471 = vector.shape_cast %get3A_252 : vector<16xf32> to vector<1x1x16xf32>
        tpu.vector_store %arg7[%swap3A_466, %swap3A_467, %swap3A_468], %swap3A_471 {strides = array<i32>} : memref<3x200x128xf32, #tpu.memory_space<vmem>>, vector<1x1x16xf32>,
        %mul3A_472 = arith.constant 2 : i32
        %mul3A_473 = arith.muli %scan3A_427, %mul3A_472 : i32
        %add3A_474 = arith.constant 0 : i32
        %add3A_475 = arith.addi %mul3A_473, %add3A_474 : i32
        %swap3A_476 = arith.constant 0 : i32
        %swap3A_477 = arith.index_cast %swap3A_476 : i32 to index
        %swap3A_478 = arith.index_cast %add3A_475 : i32 to index
        %swap3A_479 = arith.constant 64 : index
        %swap3A_480 = tpu.vector_load %arg7[%swap3A_477, %swap3A_478, %swap3A_479] {strides = array<i32>} : memref<3x200x128xf32, #tpu.memory_space<vmem>>, vector<1x1x16xf32>,
        %swap3A_481 = vector.shape_cast %swap3A_480 : vector<1x1x16xf32> to vector<16xf32>
        %swap3A_482 = vector.shape_cast %get3A_256 : vector<16xf32> to vector<1x1x16xf32>
        tpu.vector_store %arg7[%swap3A_477, %swap3A_478, %swap3A_479], %swap3A_482 {strides = array<i32>} : memref<3x200x128xf32, #tpu.memory_space<vmem>>, vector<1x1x16xf32>,
        %mul3A_483 = arith.constant 2 : i32
        %mul3A_484 = arith.muli %scan3A_427, %mul3A_483 : i32
        %add3A_485 = arith.constant 0 : i32
        %add3A_486 = arith.addi %mul3A_484, %add3A_485 : i32
        %swap3A_487 = arith.constant 0 : i32
        %swap3A_488 = arith.index_cast %swap3A_487 : i32 to index
        %swap3A_489 = arith.index_cast %add3A_486 : i32 to index
        %swap3A_490 = arith.constant 80 : index
        %swap3A_491 = tpu.vector_load %arg7[%swap3A_488, %swap3A_489, %swap3A_490] {strides = array<i32>} : memref<3x200x128xf32, #tpu.memory_space<vmem>>, vector<1x1x16xf32>,
        %swap3A_492 = vector.shape_cast %swap3A_491 : vector<1x1x16xf32> to vector<16xf32>
        %swap3A_493 = vector.shape_cast %get3A_260 : vector<16xf32> to vector<1x1x16xf32>
        tpu.vector_store %arg7[%swap3A_488, %swap3A_489, %swap3A_490], %swap3A_493 {strides = array<i32>} : memref<3x200x128xf32, #tpu.memory_space<vmem>>, vector<1x1x16xf32>,
        %mul3A_494 = arith.constant 2 : i32
        %mul3A_495 = arith.muli %scan3A_427, %mul3A_494 : i32
        %add3A_496 = arith.constant 0 : i32
        %add3A_497 = arith.addi %mul3A_495, %add3A_496 : i32
        %swap3A_498 = arith.constant 0 : i32
        %swap3A_499 = arith.index_cast %swap3A_498 : i32 to index
        %swap3A_500 = arith.index_cast %add3A_497 : i32 to index
        %swap3A_501 = arith.constant 96 : index
        %swap3A_502 = tpu.vector_load %arg7[%swap3A_499, %swap3A_500, %swap3A_501] {strides = array<i32>} : memref<3x200x128xf32, #tpu.memory_space<vmem>>, vector<1x1x16xf32>,
        %swap3A_503 = vector.shape_cast %swap3A_502 : vector<1x1x16xf32> to vector<16xf32>
        %swap3A_504 = vector.shape_cast %get3A_264 : vector<16xf32> to vector<1x1x16xf32>
        tpu.vector_store %arg7[%swap3A_499, %swap3A_500, %swap3A_501], %swap3A_504 {strides = array<i32>} : memref<3x200x128xf32, #tpu.memory_space<vmem>>, vector<1x1x16xf32>,
        %mul3A_505 = arith.constant 2 : i32
        %mul3A_506 = arith.muli %scan3A_427, %mul3A_505 : i32
        %add3A_507 = arith.constant 0 : i32
        %add3A_508 = arith.addi %mul3A_506, %add3A_507 : i32
        %swap3A_509 = arith.constant 0 : i32
        %swap3A_510 = arith.index_cast %swap3A_509 : i32 to index
        %swap3A_511 = arith.index_cast %add3A_508 : i32 to index
        %swap3A_512 = arith.constant 112 : index
        %swap3A_513 = tpu.vector_load %arg7[%swap3A_510, %swap3A_511, %swap3A_512] {strides = array<i32>} : memref<3x200x128xf32, #tpu.memory_space<vmem>>, vector<1x1x16xf32>,
        %swap3A_514 = vector.shape_cast %swap3A_513 : vector<1x1x16xf32> to vector<16xf32>
        %swap3A_515 = vector.shape_cast %get3A_268 : vector<16xf32> to vector<1x1x16xf32>
        tpu.vector_store %arg7[%swap3A_510, %swap3A_511, %swap3A_512], %swap3A_515 {strides = array<i32>} : memref<3x200x128xf32, #tpu.memory_space<vmem>>, vector<1x1x16xf32>,
        %mul3A_516 = arith.constant 2 : i32
        %mul3A_517 = arith.muli %scan3A_427, %mul3A_516 : i32
        %add3A_518 = arith.constant 1 : i32
        %add3A_519 = arith.addi %mul3A_517, %add3A_518 : i32
        %swap3A_520 = arith.constant 0 : i32
        %swap3A_521 = arith.index_cast %swap3A_520 : i32 to index
        %swap3A_522 = arith.index_cast %add3A_519 : i32 to index
        %swap3A_523 = arith.constant 0 : index
        %swap3A_524 = tpu.vector_load %arg7[%swap3A_521, %swap3A_522, %swap3A_523] {strides = array<i32>} : memref<3x200x128xf32, #tpu.memory_space<vmem>>, vector<1x1x16xf32>,
        %swap3A_525 = vector.shape_cast %swap3A_524 : vector<1x1x16xf32> to vector<16xf32>
        %swap3A_526 = vector.shape_cast %get3A_240 : vector<16xf32> to vector<1x1x16xf32>
        tpu.vector_store %arg7[%swap3A_521, %swap3A_522, %swap3A_523], %swap3A_526 {strides = array<i32>} : memref<3x200x128xf32, #tpu.memory_space<vmem>>, vector<1x1x16xf32>,
        %mul3A_527 = arith.constant 2 : i32
        %mul3A_528 = arith.muli %scan3A_427, %mul3A_527 : i32
        %add3A_529 = arith.constant 1 : i32
        %add3A_530 = arith.addi %mul3A_528, %add3A_529 : i32
        %swap3A_531 = arith.constant 0 : i32
        %swap3A_532 = arith.index_cast %swap3A_531 : i32 to index
        %swap3A_533 = arith.index_cast %add3A_530 : i32 to index
        %swap3A_534 = arith.constant 16 : index
        %swap3A_535 = tpu.vector_load %arg7[%swap3A_532, %swap3A_533, %swap3A_534] {strides = array<i32>} : memref<3x200x128xf32, #tpu.memory_space<vmem>>, vector<1x1x16xf32>,
        %swap3A_536 = vector.shape_cast %swap3A_535 : vector<1x1x16xf32> to vector<16xf32>
        %swap3A_537 = vector.shape_cast %get3A_244 : vector<16xf32> to vector<1x1x16xf32>
        tpu.vector_store %arg7[%swap3A_532, %swap3A_533, %swap3A_534], %swap3A_537 {strides = array<i32>} : memref<3x200x128xf32, #tpu.memory_space<vmem>>, vector<1x1x16xf32>,
        %mul3A_538 = arith.constant 2 : i32
        %mul3A_539 = arith.muli %scan3A_427, %mul3A_538 : i32
        %add3A_540 = arith.constant 1 : i32
        %add3A_541 = arith.addi %mul3A_539, %add3A_540 : i32
        %swap3A_542 = arith.constant 0 : i32
        %swap3A_543 = arith.index_cast %swap3A_542 : i32 to index
        %swap3A_544 = arith.index_cast %add3A_541 : i32 to index
        %swap3A_545 = arith.constant 32 : index
        %swap3A_546 = tpu.vector_load %arg7[%swap3A_543, %swap3A_544, %swap3A_545] {strides = array<i32>} : memref<3x200x128xf32, #tpu.memory_space<vmem>>, vector<1x1x16xf32>,
        %swap3A_547 = vector.shape_cast %swap3A_546 : vector<1x1x16xf32> to vector<16xf32>
        %swap3A_548 = vector.shape_cast %get3A_248 : vector<16xf32> to vector<1x1x16xf32>
        tpu.vector_store %arg7[%swap3A_543, %swap3A_544, %swap3A_545], %swap3A_548 {strides = array<i32>} : memref<3x200x128xf32, #tpu.memory_space<vmem>>, vector<1x1x16xf32>,
        %mul3A_549 = arith.constant 2 : i32
        %mul3A_550 = arith.muli %scan3A_427, %mul3A_549 : i32
        %add3A_551 = arith.constant 1 : i32
        %add3A_552 = arith.addi %mul3A_550, %add3A_551 : i32
        %swap3A_553 = arith.constant 0 : i32
        %swap3A_554 = arith.index_cast %swap3A_553 : i32 to index
        %swap3A_555 = arith.index_cast %add3A_552 : i32 to index
        %swap3A_556 = arith.constant 48 : index
        %swap3A_557 = tpu.vector_load %arg7[%swap3A_554, %swap3A_555, %swap3A_556] {strides = array<i32>} : memref<3x200x128xf32, #tpu.memory_space<vmem>>, vector<1x1x16xf32>,
        %swap3A_558 = vector.shape_cast %swap3A_557 : vector<1x1x16xf32> to vector<16xf32>
        %swap3A_559 = vector.shape_cast %get3A_252 : vector<16xf32> to vector<1x1x16xf32>
        tpu.vector_store %arg7[%swap3A_554, %swap3A_555, %swap3A_556], %swap3A_559 {strides = array<i32>} : memref<3x200x128xf32, #tpu.memory_space<vmem>>, vector<1x1x16xf32>,
        %mul3A_560 = arith.constant 2 : i32
        %mul3A_561 = arith.muli %scan3A_427, %mul3A_560 : i32
        %add3A_562 = arith.constant 1 : i32
        %add3A_563 = arith.addi %mul3A_561, %add3A_562 : i32
        %swap3A_564 = arith.constant 0 : i32
        %swap3A_565 = arith.index_cast %swap3A_564 : i32 to index
        %swap3A_566 = arith.index_cast %add3A_563 : i32 to index
        %swap3A_567 = arith.constant 64 : index
        %swap3A_568 = tpu.vector_load %arg7[%swap3A_565, %swap3A_566, %swap3A_567] {strides = array<i32>} : memref<3x200x128xf32, #tpu.memory_space<vmem>>, vector<1x1x16xf32>,
        %swap3A_569 = vector.shape_cast %swap3A_568 : vector<1x1x16xf32> to vector<16xf32>
        %swap3A_570 = vector.shape_cast %get3A_256 : vector<16xf32> to vector<1x1x16xf32>
        tpu.vector_store %arg7[%swap3A_565, %swap3A_566, %swap3A_567], %swap3A_570 {strides = array<i32>} : memref<3x200x128xf32, #tpu.memory_space<vmem>>, vector<1x1x16xf32>,
        %mul3A_571 = arith.constant 2 : i32
        %mul3A_572 = arith.muli %scan3A_427, %mul3A_571 : i32
        %add3A_573 = arith.constant 1 : i32
        %add3A_574 = arith.addi %mul3A_572, %add3A_573 : i32
        %swap3A_575 = arith.constant 0 : i32
        %swap3A_576 = arith.index_cast %swap3A_575 : i32 to index
        %swap3A_577 = arith.index_cast %add3A_574 : i32 to index
        %swap3A_578 = arith.constant 80 : index
        %swap3A_579 = tpu.vector_load %arg7[%swap3A_576, %swap3A_577, %swap3A_578] {strides = array<i32>} : memref<3x200x128xf32, #tpu.memory_space<vmem>>, vector<1x1x16xf32>,
        %swap3A_580 = vector.shape_cast %swap3A_579 : vector<1x1x16xf32> to vector<16xf32>
        %swap3A_581 = vector.shape_cast %get3A_260 : vector<16xf32> to vector<1x1x16xf32>
        tpu.vector_store %arg7[%swap3A_576, %swap3A_577, %swap3A_578], %swap3A_581 {strides = array<i32>} : memref<3x200x128xf32, #tpu.memory_space<vmem>>, vector<1x1x16xf32>,
        %mul3A_582 = arith.constant 2 : i32
        %mul3A_583 = arith.muli %scan3A_427, %mul3A_582 : i32
        %add3A_584 = arith.constant 1 : i32
        %add3A_585 = arith.addi %mul3A_583, %add3A_584 : i32
        %swap3A_586 = arith.constant 0 : i32
        %swap3A_587 = arith.index_cast %swap3A_586 : i32 to index
        %swap3A_588 = arith.index_cast %add3A_585 : i32 to index
        %swap3A_589 = arith.constant 96 : index
        %swap3A_590 = tpu.vector_load %arg7[%swap3A_587, %swap3A_588, %swap3A_589] {strides = array<i32>} : memref<3x200x128xf32, #tpu.memory_space<vmem>>, vector<1x1x16xf32>,
        %swap3A_591 = vector.shape_cast %swap3A_590 : vector<1x1x16xf32> to vector<16xf32>
        %swap3A_592 = vector.shape_cast %get3A_264 : vector<16xf32> to vector<1x1x16xf32>
        tpu.vector_store %arg7[%swap3A_587, %swap3A_588, %swap3A_589], %swap3A_592 {strides = array<i32>} : memref<3x200x128xf32, #tpu.memory_space<vmem>>, vector<1x1x16xf32>,
        %mul3A_593 = arith.constant 2 : i32
        %mul3A_594 = arith.muli %scan3A_427, %mul3A_593 : i32
        %add3A_595 = arith.constant 1 : i32
        %add3A_596 = arith.addi %mul3A_594, %add3A_595 : i32
        %swap3A_597 = arith.constant 0 : i32
        %swap3A_598 = arith.index_cast %swap3A_597 : i32 to index
        %swap3A_599 = arith.index_cast %add3A_596 : i32 to index
        %swap3A_600 = arith.constant 112 : index
        %swap3A_601 = tpu.vector_load %arg7[%swap3A_598, %swap3A_599, %swap3A_600] {strides = array<i32>} : memref<3x200x128xf32, #tpu.memory_space<vmem>>, vector<1x1x16xf32>,
        %swap3A_602 = vector.shape_cast %swap3A_601 : vector<1x1x16xf32> to vector<16xf32>
        %swap3A_603 = vector.shape_cast %get3A_268 : vector<16xf32> to vector<1x1x16xf32>
        tpu.vector_store %arg7[%swap3A_598, %swap3A_599, %swap3A_600], %swap3A_603 {strides = array<i32>} : memref<3x200x128xf32, #tpu.memory_space<vmem>>, vector<1x1x16xf32>,
        %scan3A_604 = arith.constant 0 : i32
        scf.yield %scan3A_604 : i32
      }
      %scan3A_275 = arith.constant 100 : i32
      %add3A_276 = arith.addi %mul3A_2, %add3A_234 : i32
      %dma_start3A_277 = arith.constant 0 : i32
      %dma_start3A_278 = arith.constant 0 : i32
      %dma_start3A_279 = arith.constant 0 : i32
      %dma_start3A_280 = tpu.memref_slice %arg7[%dma_start3A_277, %dma_start3A_278, %dma_start3A_279] : memref<3x200x128xf32, #tpu.memory_space<vmem>> -> memref<1x200x128xf32, #tpu.memory_space<vmem>>
      %dma_start3A_281 = tpu.memref_squeeze %dma_start3A_280 : memref<1x200x128xf32, #tpu.memory_space<vmem>> -> memref<200x128xf32, #tpu.memory_space<vmem>>
      %dma_start3A_282 = arith.constant 0 : i32
      %dma_start3A_283 = arith.constant 0 : i32
      %dma_start3A_284 = tpu.memref_slice %arg4[%add3A_276, %dma_start3A_282, %dma_start3A_283] : memref<4096x200x128xf32, #tpu.memory_space<hbm>> -> memref<1x200x128xf32, #tpu.memory_space<hbm>>
      %dma_start3A_285 = tpu.memref_squeeze %dma_start3A_284 : memref<1x200x128xf32, #tpu.memory_space<hbm>> -> memref<200x128xf32, #tpu.memory_space<hbm>>
      %dma_start3A_286 = arith.constant 0 : i32
      %dma_start3A_287 = arith.constant 0 : i32
      %dma_start3A_288 = tpu.memref_slice %arg4[%add3A_276, %dma_start3A_286, %dma_start3A_287] : memref<4096x200x128xf32, #tpu.memory_space<hbm>> -> memref<1x200x128xf32, #tpu.memory_space<hbm>>
      %dma_start3A_289 = tpu.memref_squeeze %dma_start3A_288 : memref<1x200x128xf32, #tpu.memory_space<hbm>> -> memref<200x128xf32, #tpu.memory_space<hbm>>
      %dma_start3A_290 = arith.constant 0 : i32
      %dma_start3A_291 = arith.constant 0 : i32
      %dma_start3A_292 = tpu.memref_slice %arg7[%dma_start3A_277, %dma_start3A_290, %dma_start3A_291] : memref<3x200x128xf32, #tpu.memory_space<vmem>> -> memref<1x200x128xf32, #tpu.memory_space<vmem>>
      %dma_start3A_293 = tpu.memref_squeeze %dma_start3A_292 : memref<1x200x128xf32, #tpu.memory_space<vmem>> -> memref<200x128xf32, #tpu.memory_space<vmem>>
      tpu.enqueue_dma source(%dma_start3A_293 : memref<200x128xf32, #tpu.memory_space<vmem>>) target(%dma_start3A_289 : memref<200x128xf32, #tpu.memory_space<hbm>>) target_semaphore(%arg9 : memref<!tpu.dma_semaphore, #tpu.memory_space<semaphore_mem>>)
      %mul3A_294 = arith.constant 3 : i32
      %mul3A_295 = arith.muli %scan3A_229, %mul3A_294 : i32
      %add3A_296 = arith.constant 1 : i32
      %add3A_297 = arith.addi %mul3A_295, %add3A_296 : i32
      %gt3A_298 = arith.constant 0 : i32
      %gt3A_299 = arith.cmpi sgt, %scan3A_229, %gt3A_298 : i32
      %convert_element_type3A_300 = arith.extui %gt3A_299 : i1 to i32
      %cond3A_301 = arith.constant 0 : i32
      %cond3A_302 = arith.cmpi ne, %convert_element_type3A_300, %cond3A_301 : i32
      scf.if %cond3A_302 {
        %dma_wait3A_427 = arith.constant 1 : i32
        %dma_wait3A_428 = arith.constant 0 : i32
        %dma_wait3A_429 = arith.constant 0 : i32
        %dma_wait3A_430 = tpu.memref_slice %arg7[%dma_wait3A_427, %dma_wait3A_428, %dma_wait3A_429] : memref<3x200x128xf32, #tpu.memory_space<vmem>> -> memref<1x200x128xf32, #tpu.memory_space<vmem>>
        %dma_wait3A_431 = tpu.memref_squeeze %dma_wait3A_430 : memref<1x200x128xf32, #tpu.memory_space<vmem>> -> memref<200x128xf32, #tpu.memory_space<vmem>>
        %dma_wait3A_432 = arith.constant 0 : i32
        %dma_wait3A_433 = arith.constant 0 : i32
        %dma_wait3A_434 = tpu.memref_slice %arg4[%mul3A_2, %dma_wait3A_432, %dma_wait3A_433] : memref<4096x200x128xf32, #tpu.memory_space<hbm>> -> memref<1x200x128xf32, #tpu.memory_space<hbm>>
        %dma_wait3A_435 = tpu.memref_squeeze %dma_wait3A_434 : memref<1x200x128xf32, #tpu.memory_space<hbm>> -> memref<200x128xf32, #tpu.memory_space<hbm>>
        %dma_wait3A_436 = arith.constant 0 : i32
        %dma_wait3A_437 = arith.constant 0 : i32
        %dma_wait3A_438 = tpu.memref_slice %arg4[%mul3A_2, %dma_wait3A_436, %dma_wait3A_437] : memref<4096x200x128xf32, #tpu.memory_space<hbm>> -> memref<1x200x128xf32, #tpu.memory_space<hbm>>
        %dma_wait3A_439 = tpu.memref_squeeze %dma_wait3A_438 : memref<1x200x128xf32, #tpu.memory_space<hbm>> -> memref<200x128xf32, #tpu.memory_space<hbm>>
        %dma_wait3A_440 = arith.constant 0 : i32
        %dma_wait3A_441 = arith.constant 0 : i32
        %dma_wait3A_442 = tpu.memref_slice %arg7[%dma_wait3A_427, %dma_wait3A_440, %dma_wait3A_441] : memref<3x200x128xf32, #tpu.memory_space<vmem>> -> memref<1x200x128xf32, #tpu.memory_space<vmem>>
        %dma_wait3A_443 = tpu.memref_squeeze %dma_wait3A_442 : memref<1x200x128xf32, #tpu.memory_space<vmem>> -> memref<200x128xf32, #tpu.memory_space<vmem>>
        tpu.wait_dma2 semaphore(%arg10 : memref<!tpu.dma_semaphore, #tpu.memory_space<semaphore_mem>>) src(%dma_wait3A_443 : memref<200x128xf32, #tpu.memory_space<vmem>>) dst(%dma_wait3A_439 : memref<200x128xf32, #tpu.memory_space<hbm>>)
      } else {
      }
      %get3A_303 = arith.index_cast %add3A_297 : i32 to index
      %get3A_304 = arith.constant 0 : index
      %get3A_305 = tpu.vector_load %arg6[%get3A_303, %get3A_304] {strides = array<i32>} : memref<128x128xf32, #tpu.memory_space<vmem>>, vector<1x16xf32>,
      %get3A_306 = vector.shape_cast %get3A_305 : vector<1x16xf32> to vector<16xf32>
      %get3A_307 = arith.index_cast %add3A_297 : i32 to index
      %get3A_308 = arith.constant 16 : index
      %get3A_309 = tpu.vector_load %arg6[%get3A_307, %get3A_308] {strides = array<i32>} : memref<128x128xf32, #tpu.memory_space<vmem>>, vector<1x16xf32>,
      %get3A_310 = vector.shape_cast %get3A_309 : vector<1x16xf32> to vector<16xf32>
      %get3A_311 = arith.index_cast %add3A_297 : i32 to index
      %get3A_312 = arith.constant 32 : index
      %get3A_313 = tpu.vector_load %arg6[%get3A_311, %get3A_312] {strides = array<i32>} : memref<128x128xf32, #tpu.memory_space<vmem>>, vector<1x16xf32>,
      %get3A_314 = vector.shape_cast %get3A_313 : vector<1x16xf32> to vector<16xf32>
      %get3A_315 = arith.index_cast %add3A_297 : i32 to index
      %get3A_316 = arith.constant 48 : index
      %get3A_317 = tpu.vector_load %arg6[%get3A_315, %get3A_316] {strides = array<i32>} : memref<128x128xf32, #tpu.memory_space<vmem>>, vector<1x16xf32>,
      %get3A_318 = vector.shape_cast %get3A_317 : vector<1x16xf32> to vector<16xf32>
      %get3A_319 = arith.index_cast %add3A_297 : i32 to index
      %get3A_320 = arith.constant 64 : index
      %get3A_321 = tpu.vector_load %arg6[%get3A_319, %get3A_320] {strides = array<i32>} : memref<128x128xf32, #tpu.memory_space<vmem>>, vector<1x16xf32>,
      %get3A_322 = vector.shape_cast %get3A_321 : vector<1x16xf32> to vector<16xf32>
      %get3A_323 = arith.index_cast %add3A_297 : i32 to index
      %get3A_324 = arith.constant 80 : index
      %get3A_325 = tpu.vector_load %arg6[%get3A_323, %get3A_324] {strides = array<i32>} : memref<128x128xf32, #tpu.memory_space<vmem>>, vector<1x16xf32>,
      %get3A_326 = vector.shape_cast %get3A_325 : vector<1x16xf32> to vector<16xf32>
      %get3A_327 = arith.index_cast %add3A_297 : i32 to index
      %get3A_328 = arith.constant 96 : index
      %get3A_329 = tpu.vector_load %arg6[%get3A_327, %get3A_328] {strides = array<i32>} : memref<128x128xf32, #tpu.memory_space<vmem>>, vector<1x16xf32>,
      %get3A_330 = vector.shape_cast %get3A_329 : vector<1x16xf32> to vector<16xf32>
      %get3A_331 = arith.index_cast %add3A_297 : i32 to index
      %get3A_332 = arith.constant 112 : index
      %get3A_333 = tpu.vector_load %arg6[%get3A_331, %get3A_332] {strides = array<i32>} : memref<128x128xf32, #tpu.memory_space<vmem>>, vector<1x16xf32>,
      %get3A_334 = vector.shape_cast %get3A_333 : vector<1x16xf32> to vector<16xf32>
      %scan3A_335 = arith.constant 0 : i32
      %scan3A_336 = arith.constant 0 : i32
      %scan3A_337 = arith.constant 100 : i32
      %scan3A_338 = arith.addi %scan3A_336, %scan3A_337 : i32
      %scan3A_339 = arith.constant 1 : i32
      %scan3A_340 = scf.for %scan3A_427 = %scan3A_336 to %scan3A_338 step %scan3A_339 iter_args(%scan3A_428 = %scan3A_335) -> (i32)  : i32 {
        %mul3A_429 = arith.constant 2 : i32
        %mul3A_430 = arith.muli %scan3A_427, %mul3A_429 : i32
        %add3A_431 = arith.constant 0 : i32
        %add3A_432 = arith.addi %mul3A_430, %add3A_431 : i32
        %swap3A = arith.constant 1 : i32
        %swap3A_433 = arith.index_cast %swap3A : i32 to index
        %swap3A_434 = arith.index_cast %add3A_432 : i32 to index
        %swap3A_435 = arith.constant 0 : index
        %swap3A_436 = tpu.vector_load %arg7[%swap3A_433, %swap3A_434, %swap3A_435] {strides = array<i32>} : memref<3x200x128xf32, #tpu.memory_space<vmem>>, vector<1x1x16xf32>,
        %swap3A_437 = vector.shape_cast %swap3A_436 : vector<1x1x16xf32> to vector<16xf32>
        %swap3A_438 = vector.shape_cast %get3A_306 : vector<16xf32> to vector<1x1x16xf32>
        tpu.vector_store %arg7[%swap3A_433, %swap3A_434, %swap3A_435], %swap3A_438 {strides = array<i32>} : memref<3x200x128xf32, #tpu.memory_space<vmem>>, vector<1x1x16xf32>,
        %mul3A_439 = arith.constant 2 : i32
        %mul3A_440 = arith.muli %scan3A_427, %mul3A_439 : i32
        %add3A_441 = arith.constant 0 : i32
        %add3A_442 = arith.addi %mul3A_440, %add3A_441 : i32
        %swap3A_443 = arith.constant 1 : i32
        %swap3A_444 = arith.index_cast %swap3A_443 : i32 to index
        %swap3A_445 = arith.index_cast %add3A_442 : i32 to index
        %swap3A_446 = arith.constant 16 : index
        %swap3A_447 = tpu.vector_load %arg7[%swap3A_444, %swap3A_445, %swap3A_446] {strides = array<i32>} : memref<3x200x128xf32, #tpu.memory_space<vmem>>, vector<1x1x16xf32>,
        %swap3A_448 = vector.shape_cast %swap3A_447 : vector<1x1x16xf32> to vector<16xf32>
        %swap3A_449 = vector.shape_cast %get3A_310 : vector<16xf32> to vector<1x1x16xf32>
        tpu.vector_store %arg7[%swap3A_444, %swap3A_445, %swap3A_446], %swap3A_449 {strides = array<i32>} : memref<3x200x128xf32, #tpu.memory_space<vmem>>, vector<1x1x16xf32>,
        %mul3A_450 = arith.constant 2 : i32
        %mul3A_451 = arith.muli %scan3A_427, %mul3A_450 : i32
        %add3A_452 = arith.constant 0 : i32
        %add3A_453 = arith.addi %mul3A_451, %add3A_452 : i32
        %swap3A_454 = arith.constant 1 : i32
        %swap3A_455 = arith.index_cast %swap3A_454 : i32 to index
        %swap3A_456 = arith.index_cast %add3A_453 : i32 to index
        %swap3A_457 = arith.constant 32 : index
        %swap3A_458 = tpu.vector_load %arg7[%swap3A_455, %swap3A_456, %swap3A_457] {strides = array<i32>} : memref<3x200x128xf32, #tpu.memory_space<vmem>>, vector<1x1x16xf32>,
        %swap3A_459 = vector.shape_cast %swap3A_458 : vector<1x1x16xf32> to vector<16xf32>
        %swap3A_460 = vector.shape_cast %get3A_314 : vector<16xf32> to vector<1x1x16xf32>
        tpu.vector_store %arg7[%swap3A_455, %swap3A_456, %swap3A_457], %swap3A_460 {strides = array<i32>} : memref<3x200x128xf32, #tpu.memory_space<vmem>>, vector<1x1x16xf32>,
        %mul3A_461 = arith.constant 2 : i32
        %mul3A_462 = arith.muli %scan3A_427, %mul3A_461 : i32
        %add3A_463 = arith.constant 0 : i32
        %add3A_464 = arith.addi %mul3A_462, %add3A_463 : i32
        %swap3A_465 = arith.constant 1 : i32
        %swap3A_466 = arith.index_cast %swap3A_465 : i32 to index
        %swap3A_467 = arith.index_cast %add3A_464 : i32 to index
        %swap3A_468 = arith.constant 48 : index
        %swap3A_469 = tpu.vector_load %arg7[%swap3A_466, %swap3A_467, %swap3A_468] {strides = array<i32>} : memref<3x200x128xf32, #tpu.memory_space<vmem>>, vector<1x1x16xf32>,
        %swap3A_470 = vector.shape_cast %swap3A_469 : vector<1x1x16xf32> to vector<16xf32>
        %swap3A_471 = vector.shape_cast %get3A_318 : vector<16xf32> to vector<1x1x16xf32>
        tpu.vector_store %arg7[%swap3A_466, %swap3A_467, %swap3A_468], %swap3A_471 {strides = array<i32>} : memref<3x200x128xf32, #tpu.memory_space<vmem>>, vector<1x1x16xf32>,
        %mul3A_472 = arith.constant 2 : i32
        %mul3A_473 = arith.muli %scan3A_427, %mul3A_472 : i32
        %add3A_474 = arith.constant 0 : i32
        %add3A_475 = arith.addi %mul3A_473, %add3A_474 : i32
        %swap3A_476 = arith.constant 1 : i32
        %swap3A_477 = arith.index_cast %swap3A_476 : i32 to index
        %swap3A_478 = arith.index_cast %add3A_475 : i32 to index
        %swap3A_479 = arith.constant 64 : index
        %swap3A_480 = tpu.vector_load %arg7[%swap3A_477, %swap3A_478, %swap3A_479] {strides = array<i32>} : memref<3x200x128xf32, #tpu.memory_space<vmem>>, vector<1x1x16xf32>,
        %swap3A_481 = vector.shape_cast %swap3A_480 : vector<1x1x16xf32> to vector<16xf32>
        %swap3A_482 = vector.shape_cast %get3A_322 : vector<16xf32> to vector<1x1x16xf32>
        tpu.vector_store %arg7[%swap3A_477, %swap3A_478, %swap3A_479], %swap3A_482 {strides = array<i32>} : memref<3x200x128xf32, #tpu.memory_space<vmem>>, vector<1x1x16xf32>,
        %mul3A_483 = arith.constant 2 : i32
        %mul3A_484 = arith.muli %scan3A_427, %mul3A_483 : i32
        %add3A_485 = arith.constant 0 : i32
        %add3A_486 = arith.addi %mul3A_484, %add3A_485 : i32
        %swap3A_487 = arith.constant 1 : i32
        %swap3A_488 = arith.index_cast %swap3A_487 : i32 to index
        %swap3A_489 = arith.index_cast %add3A_486 : i32 to index
        %swap3A_490 = arith.constant 80 : index
        %swap3A_491 = tpu.vector_load %arg7[%swap3A_488, %swap3A_489, %swap3A_490] {strides = array<i32>} : memref<3x200x128xf32, #tpu.memory_space<vmem>>, vector<1x1x16xf32>,
        %swap3A_492 = vector.shape_cast %swap3A_491 : vector<1x1x16xf32> to vector<16xf32>
        %swap3A_493 = vector.shape_cast %get3A_326 : vector<16xf32> to vector<1x1x16xf32>
        tpu.vector_store %arg7[%swap3A_488, %swap3A_489, %swap3A_490], %swap3A_493 {strides = array<i32>} : memref<3x200x128xf32, #tpu.memory_space<vmem>>, vector<1x1x16xf32>,
        %mul3A_494 = arith.constant 2 : i32
        %mul3A_495 = arith.muli %scan3A_427, %mul3A_494 : i32
        %add3A_496 = arith.constant 0 : i32
        %add3A_497 = arith.addi %mul3A_495, %add3A_496 : i32
        %swap3A_498 = arith.constant 1 : i32
        %swap3A_499 = arith.index_cast %swap3A_498 : i32 to index
        %swap3A_500 = arith.index_cast %add3A_497 : i32 to index
        %swap3A_501 = arith.constant 96 : index
        %swap3A_502 = tpu.vector_load %arg7[%swap3A_499, %swap3A_500, %swap3A_501] {strides = array<i32>} : memref<3x200x128xf32, #tpu.memory_space<vmem>>, vector<1x1x16xf32>,
        %swap3A_503 = vector.shape_cast %swap3A_502 : vector<1x1x16xf32> to vector<16xf32>
        %swap3A_504 = vector.shape_cast %get3A_330 : vector<16xf32> to vector<1x1x16xf32>
        tpu.vector_store %arg7[%swap3A_499, %swap3A_500, %swap3A_501], %swap3A_504 {strides = array<i32>} : memref<3x200x128xf32, #tpu.memory_space<vmem>>, vector<1x1x16xf32>,
        %mul3A_505 = arith.constant 2 : i32
        %mul3A_506 = arith.muli %scan3A_427, %mul3A_505 : i32
        %add3A_507 = arith.constant 0 : i32
        %add3A_508 = arith.addi %mul3A_506, %add3A_507 : i32
        %swap3A_509 = arith.constant 1 : i32
        %swap3A_510 = arith.index_cast %swap3A_509 : i32 to index
        %swap3A_511 = arith.index_cast %add3A_508 : i32 to index
        %swap3A_512 = arith.constant 112 : index
        %swap3A_513 = tpu.vector_load %arg7[%swap3A_510, %swap3A_511, %swap3A_512] {strides = array<i32>} : memref<3x200x128xf32, #tpu.memory_space<vmem>>, vector<1x1x16xf32>,
        %swap3A_514 = vector.shape_cast %swap3A_513 : vector<1x1x16xf32> to vector<16xf32>
        %swap3A_515 = vector.shape_cast %get3A_334 : vector<16xf32> to vector<1x1x16xf32>
        tpu.vector_store %arg7[%swap3A_510, %swap3A_511, %swap3A_512], %swap3A_515 {strides = array<i32>} : memref<3x200x128xf32, #tpu.memory_space<vmem>>, vector<1x1x16xf32>,
        %mul3A_516 = arith.constant 2 : i32
        %mul3A_517 = arith.muli %scan3A_427, %mul3A_516 : i32
        %add3A_518 = arith.constant 1 : i32
        %add3A_519 = arith.addi %mul3A_517, %add3A_518 : i32
        %swap3A_520 = arith.constant 1 : i32
        %swap3A_521 = arith.index_cast %swap3A_520 : i32 to index
        %swap3A_522 = arith.index_cast %add3A_519 : i32 to index
        %swap3A_523 = arith.constant 0 : index
        %swap3A_524 = tpu.vector_load %arg7[%swap3A_521, %swap3A_522, %swap3A_523] {strides = array<i32>} : memref<3x200x128xf32, #tpu.memory_space<vmem>>, vector<1x1x16xf32>,
        %swap3A_525 = vector.shape_cast %swap3A_524 : vector<1x1x16xf32> to vector<16xf32>
        %swap3A_526 = vector.shape_cast %get3A_306 : vector<16xf32> to vector<1x1x16xf32>
        tpu.vector_store %arg7[%swap3A_521, %swap3A_522, %swap3A_523], %swap3A_526 {strides = array<i32>} : memref<3x200x128xf32, #tpu.memory_space<vmem>>, vector<1x1x16xf32>,
        %mul3A_527 = arith.constant 2 : i32
        %mul3A_528 = arith.muli %scan3A_427, %mul3A_527 : i32
        %add3A_529 = arith.constant 1 : i32
        %add3A_530 = arith.addi %mul3A_528, %add3A_529 : i32
        %swap3A_531 = arith.constant 1 : i32
        %swap3A_532 = arith.index_cast %swap3A_531 : i32 to index
        %swap3A_533 = arith.index_cast %add3A_530 : i32 to index
        %swap3A_534 = arith.constant 16 : index
        %swap3A_535 = tpu.vector_load %arg7[%swap3A_532, %swap3A_533, %swap3A_534] {strides = array<i32>} : memref<3x200x128xf32, #tpu.memory_space<vmem>>, vector<1x1x16xf32>,
        %swap3A_536 = vector.shape_cast %swap3A_535 : vector<1x1x16xf32> to vector<16xf32>
        %swap3A_537 = vector.shape_cast %get3A_310 : vector<16xf32> to vector<1x1x16xf32>
        tpu.vector_store %arg7[%swap3A_532, %swap3A_533, %swap3A_534], %swap3A_537 {strides = array<i32>} : memref<3x200x128xf32, #tpu.memory_space<vmem>>, vector<1x1x16xf32>,
        %mul3A_538 = arith.constant 2 : i32
        %mul3A_539 = arith.muli %scan3A_427, %mul3A_538 : i32
        %add3A_540 = arith.constant 1 : i32
        %add3A_541 = arith.addi %mul3A_539, %add3A_540 : i32
        %swap3A_542 = arith.constant 1 : i32
        %swap3A_543 = arith.index_cast %swap3A_542 : i32 to index
        %swap3A_544 = arith.index_cast %add3A_541 : i32 to index
        %swap3A_545 = arith.constant 32 : index
        %swap3A_546 = tpu.vector_load %arg7[%swap3A_543, %swap3A_544, %swap3A_545] {strides = array<i32>} : memref<3x200x128xf32, #tpu.memory_space<vmem>>, vector<1x1x16xf32>,
        %swap3A_547 = vector.shape_cast %swap3A_546 : vector<1x1x16xf32> to vector<16xf32>
        %swap3A_548 = vector.shape_cast %get3A_314 : vector<16xf32> to vector<1x1x16xf32>
        tpu.vector_store %arg7[%swap3A_543, %swap3A_544, %swap3A_545], %swap3A_548 {strides = array<i32>} : memref<3x200x128xf32, #tpu.memory_space<vmem>>, vector<1x1x16xf32>,
        %mul3A_549 = arith.constant 2 : i32
        %mul3A_550 = arith.muli %scan3A_427, %mul3A_549 : i32
        %add3A_551 = arith.constant 1 : i32
        %add3A_552 = arith.addi %mul3A_550, %add3A_551 : i32
        %swap3A_553 = arith.constant 1 : i32
        %swap3A_554 = arith.index_cast %swap3A_553 : i32 to index
        %swap3A_555 = arith.index_cast %add3A_552 : i32 to index
        %swap3A_556 = arith.constant 48 : index
        %swap3A_557 = tpu.vector_load %arg7[%swap3A_554, %swap3A_555, %swap3A_556] {strides = array<i32>} : memref<3x200x128xf32, #tpu.memory_space<vmem>>, vector<1x1x16xf32>,
        %swap3A_558 = vector.shape_cast %swap3A_557 : vector<1x1x16xf32> to vector<16xf32>
        %swap3A_559 = vector.shape_cast %get3A_318 : vector<16xf32> to vector<1x1x16xf32>
        tpu.vector_store %arg7[%swap3A_554, %swap3A_555, %swap3A_556], %swap3A_559 {strides = array<i32>} : memref<3x200x128xf32, #tpu.memory_space<vmem>>, vector<1x1x16xf32>,
        %mul3A_560 = arith.constant 2 : i32
        %mul3A_561 = arith.muli %scan3A_427, %mul3A_560 : i32
        %add3A_562 = arith.constant 1 : i32
        %add3A_563 = arith.addi %mul3A_561, %add3A_562 : i32
        %swap3A_564 = arith.constant 1 : i32
        %swap3A_565 = arith.index_cast %swap3A_564 : i32 to index
        %swap3A_566 = arith.index_cast %add3A_563 : i32 to index
        %swap3A_567 = arith.constant 64 : index
        %swap3A_568 = tpu.vector_load %arg7[%swap3A_565, %swap3A_566, %swap3A_567] {strides = array<i32>} : memref<3x200x128xf32, #tpu.memory_space<vmem>>, vector<1x1x16xf32>,
        %swap3A_569 = vector.shape_cast %swap3A_568 : vector<1x1x16xf32> to vector<16xf32>
        %swap3A_570 = vector.shape_cast %get3A_322 : vector<16xf32> to vector<1x1x16xf32>
        tpu.vector_store %arg7[%swap3A_565, %swap3A_566, %swap3A_567], %swap3A_570 {strides = array<i32>} : memref<3x200x128xf32, #tpu.memory_space<vmem>>, vector<1x1x16xf32>,
        %mul3A_571 = arith.constant 2 : i32
        %mul3A_572 = arith.muli %scan3A_427, %mul3A_571 : i32
        %add3A_573 = arith.constant 1 : i32
        %add3A_574 = arith.addi %mul3A_572, %add3A_573 : i32
        %swap3A_575 = arith.constant 1 : i32
        %swap3A_576 = arith.index_cast %swap3A_575 : i32 to index
        %swap3A_577 = arith.index_cast %add3A_574 : i32 to index
        %swap3A_578 = arith.constant 80 : index
        %swap3A_579 = tpu.vector_load %arg7[%swap3A_576, %swap3A_577, %swap3A_578] {strides = array<i32>} : memref<3x200x128xf32, #tpu.memory_space<vmem>>, vector<1x1x16xf32>,
        %swap3A_580 = vector.shape_cast %swap3A_579 : vector<1x1x16xf32> to vector<16xf32>
        %swap3A_581 = vector.shape_cast %get3A_326 : vector<16xf32> to vector<1x1x16xf32>
        tpu.vector_store %arg7[%swap3A_576, %swap3A_577, %swap3A_578], %swap3A_581 {strides = array<i32>} : memref<3x200x128xf32, #tpu.memory_space<vmem>>, vector<1x1x16xf32>,
        %mul3A_582 = arith.constant 2 : i32
        %mul3A_583 = arith.muli %scan3A_427, %mul3A_582 : i32
        %add3A_584 = arith.constant 1 : i32
        %add3A_585 = arith.addi %mul3A_583, %add3A_584 : i32
        %swap3A_586 = arith.constant 1 : i32
        %swap3A_587 = arith.index_cast %swap3A_586 : i32 to index
        %swap3A_588 = arith.index_cast %add3A_585 : i32 to index
        %swap3A_589 = arith.constant 96 : index
        %swap3A_590 = tpu.vector_load %arg7[%swap3A_587, %swap3A_588, %swap3A_589] {strides = array<i32>} : memref<3x200x128xf32, #tpu.memory_space<vmem>>, vector<1x1x16xf32>,
        %swap3A_591 = vector.shape_cast %swap3A_590 : vector<1x1x16xf32> to vector<16xf32>
        %swap3A_592 = vector.shape_cast %get3A_330 : vector<16xf32> to vector<1x1x16xf32>
        tpu.vector_store %arg7[%swap3A_587, %swap3A_588, %swap3A_589], %swap3A_592 {strides = array<i32>} : memref<3x200x128xf32, #tpu.memory_space<vmem>>, vector<1x1x16xf32>,
        %mul3A_593 = arith.constant 2 : i32
        %mul3A_594 = arith.muli %scan3A_427, %mul3A_593 : i32
        %add3A_595 = arith.constant 1 : i32
        %add3A_596 = arith.addi %mul3A_594, %add3A_595 : i32
        %swap3A_597 = arith.constant 1 : i32
        %swap3A_598 = arith.index_cast %swap3A_597 : i32 to index
        %swap3A_599 = arith.index_cast %add3A_596 : i32 to index
        %swap3A_600 = arith.constant 112 : index
        %swap3A_601 = tpu.vector_load %arg7[%swap3A_598, %swap3A_599, %swap3A_600] {strides = array<i32>} : memref<3x200x128xf32, #tpu.memory_space<vmem>>, vector<1x1x16xf32>,
        %swap3A_602 = vector.shape_cast %swap3A_601 : vector<1x1x16xf32> to vector<16xf32>
        %swap3A_603 = vector.shape_cast %get3A_334 : vector<16xf32> to vector<1x1x16xf32>
        tpu.vector_store %arg7[%swap3A_598, %swap3A_599, %swap3A_600], %swap3A_603 {strides = array<i32>} : memref<3x200x128xf32, #tpu.memory_space<vmem>>, vector<1x1x16xf32>,
        %scan3A_604 = arith.constant 0 : i32
        scf.yield %scan3A_604 : i32
      }
      %scan3A_341 = arith.constant 100 : i32
      %add3A_342 = arith.addi %mul3A_2, %add3A_297 : i32
      %dma_start3A_343 = arith.constant 1 : i32
      %dma_start3A_344 = arith.constant 0 : i32
      %dma_start3A_345 = arith.constant 0 : i32
      %dma_start3A_346 = tpu.memref_slice %arg7[%dma_start3A_343, %dma_start3A_344, %dma_start3A_345] : memref<3x200x128xf32, #tpu.memory_space<vmem>> -> memref<1x200x128xf32, #tpu.memory_space<vmem>>
      %dma_start3A_347 = tpu.memref_squeeze %dma_start3A_346 : memref<1x200x128xf32, #tpu.memory_space<vmem>> -> memref<200x128xf32, #tpu.memory_space<vmem>>
      %dma_start3A_348 = arith.constant 0 : i32
      %dma_start3A_349 = arith.constant 0 : i32
      %dma_start3A_350 = tpu.memref_slice %arg4[%add3A_342, %dma_start3A_348, %dma_start3A_349] : memref<4096x200x128xf32, #tpu.memory_space<hbm>> -> memref<1x200x128xf32, #tpu.memory_space<hbm>>
      %dma_start3A_351 = tpu.memref_squeeze %dma_start3A_350 : memref<1x200x128xf32, #tpu.memory_space<hbm>> -> memref<200x128xf32, #tpu.memory_space<hbm>>
      %dma_start3A_352 = arith.constant 0 : i32
      %dma_start3A_353 = arith.constant 0 : i32
      %dma_start3A_354 = tpu.memref_slice %arg4[%add3A_342, %dma_start3A_352, %dma_start3A_353] : memref<4096x200x128xf32, #tpu.memory_space<hbm>> -> memref<1x200x128xf32, #tpu.memory_space<hbm>>
      %dma_start3A_355 = tpu.memref_squeeze %dma_start3A_354 : memref<1x200x128xf32, #tpu.memory_space<hbm>> -> memref<200x128xf32, #tpu.memory_space<hbm>>
      %dma_start3A_356 = arith.constant 0 : i32
      %dma_start3A_357 = arith.constant 0 : i32
      %dma_start3A_358 = tpu.memref_slice %arg7[%dma_start3A_343, %dma_start3A_356, %dma_start3A_357] : memref<3x200x128xf32, #tpu.memory_space<vmem>> -> memref<1x200x128xf32, #tpu.memory_space<vmem>>
      %dma_start3A_359 = tpu.memref_squeeze %dma_start3A_358 : memref<1x200x128xf32, #tpu.memory_space<vmem>> -> memref<200x128xf32, #tpu.memory_space<vmem>>
      tpu.enqueue_dma source(%dma_start3A_359 : memref<200x128xf32, #tpu.memory_space<vmem>>) target(%dma_start3A_355 : memref<200x128xf32, #tpu.memory_space<hbm>>) target_semaphore(%arg10 : memref<!tpu.dma_semaphore, #tpu.memory_space<semaphore_mem>>)
      %mul3A_360 = arith.constant 3 : i32
      %mul3A_361 = arith.muli %scan3A_229, %mul3A_360 : i32
      %add3A_362 = arith.constant 2 : i32
      %add3A_363 = arith.addi %mul3A_361, %add3A_362 : i32
      %gt3A_364 = arith.constant 0 : i32
      %gt3A_365 = arith.cmpi sgt, %scan3A_229, %gt3A_364 : i32
      %convert_element_type3A_366 = arith.extui %gt3A_365 : i1 to i32
      %cond3A_367 = arith.constant 0 : i32
      %cond3A_368 = arith.cmpi ne, %convert_element_type3A_366, %cond3A_367 : i32
      scf.if %cond3A_368 {
        %dma_wait3A_427 = arith.constant 2 : i32
        %dma_wait3A_428 = arith.constant 0 : i32
        %dma_wait3A_429 = arith.constant 0 : i32
        %dma_wait3A_430 = tpu.memref_slice %arg7[%dma_wait3A_427, %dma_wait3A_428, %dma_wait3A_429] : memref<3x200x128xf32, #tpu.memory_space<vmem>> -> memref<1x200x128xf32, #tpu.memory_space<vmem>>
        %dma_wait3A_431 = tpu.memref_squeeze %dma_wait3A_430 : memref<1x200x128xf32, #tpu.memory_space<vmem>> -> memref<200x128xf32, #tpu.memory_space<vmem>>
        %dma_wait3A_432 = arith.constant 0 : i32
        %dma_wait3A_433 = arith.constant 0 : i32
        %dma_wait3A_434 = tpu.memref_slice %arg4[%mul3A_2, %dma_wait3A_432, %dma_wait3A_433] : memref<4096x200x128xf32, #tpu.memory_space<hbm>> -> memref<1x200x128xf32, #tpu.memory_space<hbm>>
        %dma_wait3A_435 = tpu.memref_squeeze %dma_wait3A_434 : memref<1x200x128xf32, #tpu.memory_space<hbm>> -> memref<200x128xf32, #tpu.memory_space<hbm>>
        %dma_wait3A_436 = arith.constant 0 : i32
        %dma_wait3A_437 = arith.constant 0 : i32
        %dma_wait3A_438 = tpu.memref_slice %arg4[%mul3A_2, %dma_wait3A_436, %dma_wait3A_437] : memref<4096x200x128xf32, #tpu.memory_space<hbm>> -> memref<1x200x128xf32, #tpu.memory_space<hbm>>
        %dma_wait3A_439 = tpu.memref_squeeze %dma_wait3A_438 : memref<1x200x128xf32, #tpu.memory_space<hbm>> -> memref<200x128xf32, #tpu.memory_space<hbm>>
        %dma_wait3A_440 = arith.constant 0 : i32
        %dma_wait3A_441 = arith.constant 0 : i32
        %dma_wait3A_442 = tpu.memref_slice %arg7[%dma_wait3A_427, %dma_wait3A_440, %dma_wait3A_441] : memref<3x200x128xf32, #tpu.memory_space<vmem>> -> memref<1x200x128xf32, #tpu.memory_space<vmem>>
        %dma_wait3A_443 = tpu.memref_squeeze %dma_wait3A_442 : memref<1x200x128xf32, #tpu.memory_space<vmem>> -> memref<200x128xf32, #tpu.memory_space<vmem>>
        tpu.wait_dma2 semaphore(%arg11 : memref<!tpu.dma_semaphore, #tpu.memory_space<semaphore_mem>>) src(%dma_wait3A_443 : memref<200x128xf32, #tpu.memory_space<vmem>>) dst(%dma_wait3A_439 : memref<200x128xf32, #tpu.memory_space<hbm>>)
      } else {
      }
      %get3A_369 = arith.index_cast %add3A_363 : i32 to index
      %get3A_370 = arith.constant 0 : index
      %get3A_371 = tpu.vector_load %arg6[%get3A_369, %get3A_370] {strides = array<i32>} : memref<128x128xf32, #tpu.memory_space<vmem>>, vector<1x16xf32>,
      %get3A_372 = vector.shape_cast %get3A_371 : vector<1x16xf32> to vector<16xf32>
      %get3A_373 = arith.index_cast %add3A_363 : i32 to index
      %get3A_374 = arith.constant 16 : index
      %get3A_375 = tpu.vector_load %arg6[%get3A_373, %get3A_374] {strides = array<i32>} : memref<128x128xf32, #tpu.memory_space<vmem>>, vector<1x16xf32>,
      %get3A_376 = vector.shape_cast %get3A_375 : vector<1x16xf32> to vector<16xf32>
      %get3A_377 = arith.index_cast %add3A_363 : i32 to index
      %get3A_378 = arith.constant 32 : index
      %get3A_379 = tpu.vector_load %arg6[%get3A_377, %get3A_378] {strides = array<i32>} : memref<128x128xf32, #tpu.memory_space<vmem>>, vector<1x16xf32>,
      %get3A_380 = vector.shape_cast %get3A_379 : vector<1x16xf32> to vector<16xf32>
      %get3A_381 = arith.index_cast %add3A_363 : i32 to index
      %get3A_382 = arith.constant 48 : index
      %get3A_383 = tpu.vector_load %arg6[%get3A_381, %get3A_382] {strides = array<i32>} : memref<128x128xf32, #tpu.memory_space<vmem>>, vector<1x16xf32>,
      %get3A_384 = vector.shape_cast %get3A_383 : vector<1x16xf32> to vector<16xf32>
      %get3A_385 = arith.index_cast %add3A_363 : i32 to index
      %get3A_386 = arith.constant 64 : index
      %get3A_387 = tpu.vector_load %arg6[%get3A_385, %get3A_386] {strides = array<i32>} : memref<128x128xf32, #tpu.memory_space<vmem>>, vector<1x16xf32>,
      %get3A_388 = vector.shape_cast %get3A_387 : vector<1x16xf32> to vector<16xf32>
      %get3A_389 = arith.index_cast %add3A_363 : i32 to index
      %get3A_390 = arith.constant 80 : index
      %get3A_391 = tpu.vector_load %arg6[%get3A_389, %get3A_390] {strides = array<i32>} : memref<128x128xf32, #tpu.memory_space<vmem>>, vector<1x16xf32>,
      %get3A_392 = vector.shape_cast %get3A_391 : vector<1x16xf32> to vector<16xf32>
      %get3A_393 = arith.index_cast %add3A_363 : i32 to index
      %get3A_394 = arith.constant 96 : index
      %get3A_395 = tpu.vector_load %arg6[%get3A_393, %get3A_394] {strides = array<i32>} : memref<128x128xf32, #tpu.memory_space<vmem>>, vector<1x16xf32>,
      %get3A_396 = vector.shape_cast %get3A_395 : vector<1x16xf32> to vector<16xf32>
      %get3A_397 = arith.index_cast %add3A_363 : i32 to index
      %get3A_398 = arith.constant 112 : index
      %get3A_399 = tpu.vector_load %arg6[%get3A_397, %get3A_398] {strides = array<i32>} : memref<128x128xf32, #tpu.memory_space<vmem>>, vector<1x16xf32>,
      %get3A_400 = vector.shape_cast %get3A_399 : vector<1x16xf32> to vector<16xf32>
      %scan3A_401 = arith.constant 0 : i32
      %scan3A_402 = arith.constant 0 : i32
      %scan3A_403 = arith.constant 100 : i32
      %scan3A_404 = arith.addi %scan3A_402, %scan3A_403 : i32
      %scan3A_405 = arith.constant 1 : i32
      %scan3A_406 = scf.for %scan3A_427 = %scan3A_402 to %scan3A_404 step %scan3A_405 iter_args(%scan3A_428 = %scan3A_401) -> (i32)  : i32 {
        %mul3A_429 = arith.constant 2 : i32
        %mul3A_430 = arith.muli %scan3A_427, %mul3A_429 : i32
        %add3A_431 = arith.constant 0 : i32
        %add3A_432 = arith.addi %mul3A_430, %add3A_431 : i32
        %swap3A = arith.constant 2 : i32
        %swap3A_433 = arith.index_cast %swap3A : i32 to index
        %swap3A_434 = arith.index_cast %add3A_432 : i32 to index
        %swap3A_435 = arith.constant 0 : index
        %swap3A_436 = tpu.vector_load %arg7[%swap3A_433, %swap3A_434, %swap3A_435] {strides = array<i32>} : memref<3x200x128xf32, #tpu.memory_space<vmem>>, vector<1x1x16xf32>,
        %swap3A_437 = vector.shape_cast %swap3A_436 : vector<1x1x16xf32> to vector<16xf32>
        %swap3A_438 = vector.shape_cast %get3A_372 : vector<16xf32> to vector<1x1x16xf32>
        tpu.vector_store %arg7[%swap3A_433, %swap3A_434, %swap3A_435], %swap3A_438 {strides = array<i32>} : memref<3x200x128xf32, #tpu.memory_space<vmem>>, vector<1x1x16xf32>,
        %mul3A_439 = arith.constant 2 : i32
        %mul3A_440 = arith.muli %scan3A_427, %mul3A_439 : i32
        %add3A_441 = arith.constant 0 : i32
        %add3A_442 = arith.addi %mul3A_440, %add3A_441 : i32
        %swap3A_443 = arith.constant 2 : i32
        %swap3A_444 = arith.index_cast %swap3A_443 : i32 to index
        %swap3A_445 = arith.index_cast %add3A_442 : i32 to index
        %swap3A_446 = arith.constant 16 : index
        %swap3A_447 = tpu.vector_load %arg7[%swap3A_444, %swap3A_445, %swap3A_446] {strides = array<i32>} : memref<3x200x128xf32, #tpu.memory_space<vmem>>, vector<1x1x16xf32>,
        %swap3A_448 = vector.shape_cast %swap3A_447 : vector<1x1x16xf32> to vector<16xf32>
        %swap3A_449 = vector.shape_cast %get3A_376 : vector<16xf32> to vector<1x1x16xf32>
        tpu.vector_store %arg7[%swap3A_444, %swap3A_445, %swap3A_446], %swap3A_449 {strides = array<i32>} : memref<3x200x128xf32, #tpu.memory_space<vmem>>, vector<1x1x16xf32>,
        %mul3A_450 = arith.constant 2 : i32
        %mul3A_451 = arith.muli %scan3A_427, %mul3A_450 : i32
        %add3A_452 = arith.constant 0 : i32
        %add3A_453 = arith.addi %mul3A_451, %add3A_452 : i32
        %swap3A_454 = arith.constant 2 : i32
        %swap3A_455 = arith.index_cast %swap3A_454 : i32 to index
        %swap3A_456 = arith.index_cast %add3A_453 : i32 to index
        %swap3A_457 = arith.constant 32 : index
        %swap3A_458 = tpu.vector_load %arg7[%swap3A_455, %swap3A_456, %swap3A_457] {strides = array<i32>} : memref<3x200x128xf32, #tpu.memory_space<vmem>>, vector<1x1x16xf32>,
        %swap3A_459 = vector.shape_cast %swap3A_458 : vector<1x1x16xf32> to vector<16xf32>
        %swap3A_460 = vector.shape_cast %get3A_380 : vector<16xf32> to vector<1x1x16xf32>
        tpu.vector_store %arg7[%swap3A_455, %swap3A_456, %swap3A_457], %swap3A_460 {strides = array<i32>} : memref<3x200x128xf32, #tpu.memory_space<vmem>>, vector<1x1x16xf32>,
        %mul3A_461 = arith.constant 2 : i32
        %mul3A_462 = arith.muli %scan3A_427, %mul3A_461 : i32
        %add3A_463 = arith.constant 0 : i32
        %add3A_464 = arith.addi %mul3A_462, %add3A_463 : i32
        %swap3A_465 = arith.constant 2 : i32
        %swap3A_466 = arith.index_cast %swap3A_465 : i32 to index
        %swap3A_467 = arith.index_cast %add3A_464 : i32 to index
        %swap3A_468 = arith.constant 48 : index
        %swap3A_469 = tpu.vector_load %arg7[%swap3A_466, %swap3A_467, %swap3A_468] {strides = array<i32>} : memref<3x200x128xf32, #tpu.memory_space<vmem>>, vector<1x1x16xf32>,
        %swap3A_470 = vector.shape_cast %swap3A_469 : vector<1x1x16xf32> to vector<16xf32>
        %swap3A_471 = vector.shape_cast %get3A_384 : vector<16xf32> to vector<1x1x16xf32>
        tpu.vector_store %arg7[%swap3A_466, %swap3A_467, %swap3A_468], %swap3A_471 {strides = array<i32>} : memref<3x200x128xf32, #tpu.memory_space<vmem>>, vector<1x1x16xf32>,
        %mul3A_472 = arith.constant 2 : i32
        %mul3A_473 = arith.muli %scan3A_427, %mul3A_472 : i32
        %add3A_474 = arith.constant 0 : i32
        %add3A_475 = arith.addi %mul3A_473, %add3A_474 : i32
        %swap3A_476 = arith.constant 2 : i32
        %swap3A_477 = arith.index_cast %swap3A_476 : i32 to index
        %swap3A_478 = arith.index_cast %add3A_475 : i32 to index
        %swap3A_479 = arith.constant 64 : index
        %swap3A_480 = tpu.vector_load %arg7[%swap3A_477, %swap3A_478, %swap3A_479] {strides = array<i32>} : memref<3x200x128xf32, #tpu.memory_space<vmem>>, vector<1x1x16xf32>,
        %swap3A_481 = vector.shape_cast %swap3A_480 : vector<1x1x16xf32> to vector<16xf32>
        %swap3A_482 = vector.shape_cast %get3A_388 : vector<16xf32> to vector<1x1x16xf32>
        tpu.vector_store %arg7[%swap3A_477, %swap3A_478, %swap3A_479], %swap3A_482 {strides = array<i32>} : memref<3x200x128xf32, #tpu.memory_space<vmem>>, vector<1x1x16xf32>,
        %mul3A_483 = arith.constant 2 : i32
        %mul3A_484 = arith.muli %scan3A_427, %mul3A_483 : i32
        %add3A_485 = arith.constant 0 : i32
        %add3A_486 = arith.addi %mul3A_484, %add3A_485 : i32
        %swap3A_487 = arith.constant 2 : i32
        %swap3A_488 = arith.index_cast %swap3A_487 : i32 to index
        %swap3A_489 = arith.index_cast %add3A_486 : i32 to index
        %swap3A_490 = arith.constant 80 : index
        %swap3A_491 = tpu.vector_load %arg7[%swap3A_488, %swap3A_489, %swap3A_490] {strides = array<i32>} : memref<3x200x128xf32, #tpu.memory_space<vmem>>, vector<1x1x16xf32>,
        %swap3A_492 = vector.shape_cast %swap3A_491 : vector<1x1x16xf32> to vector<16xf32>
        %swap3A_493 = vector.shape_cast %get3A_392 : vector<16xf32> to vector<1x1x16xf32>
        tpu.vector_store %arg7[%swap3A_488, %swap3A_489, %swap3A_490], %swap3A_493 {strides = array<i32>} : memref<3x200x128xf32, #tpu.memory_space<vmem>>, vector<1x1x16xf32>,
        %mul3A_494 = arith.constant 2 : i32
        %mul3A_495 = arith.muli %scan3A_427, %mul3A_494 : i32
        %add3A_496 = arith.constant 0 : i32
        %add3A_497 = arith.addi %mul3A_495, %add3A_496 : i32
        %swap3A_498 = arith.constant 2 : i32
        %swap3A_499 = arith.index_cast %swap3A_498 : i32 to index
        %swap3A_500 = arith.index_cast %add3A_497 : i32 to index
        %swap3A_501 = arith.constant 96 : index
        %swap3A_502 = tpu.vector_load %arg7[%swap3A_499, %swap3A_500, %swap3A_501] {strides = array<i32>} : memref<3x200x128xf32, #tpu.memory_space<vmem>>, vector<1x1x16xf32>,
        %swap3A_503 = vector.shape_cast %swap3A_502 : vector<1x1x16xf32> to vector<16xf32>
        %swap3A_504 = vector.shape_cast %get3A_396 : vector<16xf32> to vector<1x1x16xf32>
        tpu.vector_store %arg7[%swap3A_499, %swap3A_500, %swap3A_501], %swap3A_504 {strides = array<i32>} : memref<3x200x128xf32, #tpu.memory_space<vmem>>, vector<1x1x16xf32>,
        %mul3A_505 = arith.constant 2 : i32
        %mul3A_506 = arith.muli %scan3A_427, %mul3A_505 : i32
        %add3A_507 = arith.constant 0 : i32
        %add3A_508 = arith.addi %mul3A_506, %add3A_507 : i32
        %swap3A_509 = arith.constant 2 : i32
        %swap3A_510 = arith.index_cast %swap3A_509 : i32 to index
        %swap3A_511 = arith.index_cast %add3A_508 : i32 to index
        %swap3A_512 = arith.constant 112 : index
        %swap3A_513 = tpu.vector_load %arg7[%swap3A_510, %swap3A_511, %swap3A_512] {strides = array<i32>} : memref<3x200x128xf32, #tpu.memory_space<vmem>>, vector<1x1x16xf32>,
        %swap3A_514 = vector.shape_cast %swap3A_513 : vector<1x1x16xf32> to vector<16xf32>
        %swap3A_515 = vector.shape_cast %get3A_400 : vector<16xf32> to vector<1x1x16xf32>
        tpu.vector_store %arg7[%swap3A_510, %swap3A_511, %swap3A_512], %swap3A_515 {strides = array<i32>} : memref<3x200x128xf32, #tpu.memory_space<vmem>>, vector<1x1x16xf32>,
        %mul3A_516 = arith.constant 2 : i32
        %mul3A_517 = arith.muli %scan3A_427, %mul3A_516 : i32
        %add3A_518 = arith.constant 1 : i32
        %add3A_519 = arith.addi %mul3A_517, %add3A_518 : i32
        %swap3A_520 = arith.constant 2 : i32
        %swap3A_521 = arith.index_cast %swap3A_520 : i32 to index
        %swap3A_522 = arith.index_cast %add3A_519 : i32 to index
        %swap3A_523 = arith.constant 0 : index
        %swap3A_524 = tpu.vector_load %arg7[%swap3A_521, %swap3A_522, %swap3A_523] {strides = array<i32>} : memref<3x200x128xf32, #tpu.memory_space<vmem>>, vector<1x1x16xf32>,
        %swap3A_525 = vector.shape_cast %swap3A_524 : vector<1x1x16xf32> to vector<16xf32>
        %swap3A_526 = vector.shape_cast %get3A_372 : vector<16xf32> to vector<1x1x16xf32>
        tpu.vector_store %arg7[%swap3A_521, %swap3A_522, %swap3A_523], %swap3A_526 {strides = array<i32>} : memref<3x200x128xf32, #tpu.memory_space<vmem>>, vector<1x1x16xf32>,
        %mul3A_527 = arith.constant 2 : i32
        %mul3A_528 = arith.muli %scan3A_427, %mul3A_527 : i32
        %add3A_529 = arith.constant 1 : i32
        %add3A_530 = arith.addi %mul3A_528, %add3A_529 : i32
        %swap3A_531 = arith.constant 2 : i32
        %swap3A_532 = arith.index_cast %swap3A_531 : i32 to index
        %swap3A_533 = arith.index_cast %add3A_530 : i32 to index
        %swap3A_534 = arith.constant 16 : index
        %swap3A_535 = tpu.vector_load %arg7[%swap3A_532, %swap3A_533, %swap3A_534] {strides = array<i32>} : memref<3x200x128xf32, #tpu.memory_space<vmem>>, vector<1x1x16xf32>,
        %swap3A_536 = vector.shape_cast %swap3A_535 : vector<1x1x16xf32> to vector<16xf32>
        %swap3A_537 = vector.shape_cast %get3A_376 : vector<16xf32> to vector<1x1x16xf32>
        tpu.vector_store %arg7[%swap3A_532, %swap3A_533, %swap3A_534], %swap3A_537 {strides = array<i32>} : memref<3x200x128xf32, #tpu.memory_space<vmem>>, vector<1x1x16xf32>,
        %mul3A_538 = arith.constant 2 : i32
        %mul3A_539 = arith.muli %scan3A_427, %mul3A_538 : i32
        %add3A_540 = arith.constant 1 : i32
        %add3A_541 = arith.addi %mul3A_539, %add3A_540 : i32
        %swap3A_542 = arith.constant 2 : i32
        %swap3A_543 = arith.index_cast %swap3A_542 : i32 to index
        %swap3A_544 = arith.index_cast %add3A_541 : i32 to index
        %swap3A_545 = arith.constant 32 : index
        %swap3A_546 = tpu.vector_load %arg7[%swap3A_543, %swap3A_544, %swap3A_545] {strides = array<i32>} : memref<3x200x128xf32, #tpu.memory_space<vmem>>, vector<1x1x16xf32>,
        %swap3A_547 = vector.shape_cast %swap3A_546 : vector<1x1x16xf32> to vector<16xf32>
        %swap3A_548 = vector.shape_cast %get3A_380 : vector<16xf32> to vector<1x1x16xf32>
        tpu.vector_store %arg7[%swap3A_543, %swap3A_544, %swap3A_545], %swap3A_548 {strides = array<i32>} : memref<3x200x128xf32, #tpu.memory_space<vmem>>, vector<1x1x16xf32>,
        %mul3A_549 = arith.constant 2 : i32
        %mul3A_550 = arith.muli %scan3A_427, %mul3A_549 : i32
        %add3A_551 = arith.constant 1 : i32
        %add3A_552 = arith.addi %mul3A_550, %add3A_551 : i32
        %swap3A_553 = arith.constant 2 : i32
        %swap3A_554 = arith.index_cast %swap3A_553 : i32 to index
        %swap3A_555 = arith.index_cast %add3A_552 : i32 to index
        %swap3A_556 = arith.constant 48 : index
        %swap3A_557 = tpu.vector_load %arg7[%swap3A_554, %swap3A_555, %swap3A_556] {strides = array<i32>} : memref<3x200x128xf32, #tpu.memory_space<vmem>>, vector<1x1x16xf32>,
        %swap3A_558 = vector.shape_cast %swap3A_557 : vector<1x1x16xf32> to vector<16xf32>
        %swap3A_559 = vector.shape_cast %get3A_384 : vector<16xf32> to vector<1x1x16xf32>
        tpu.vector_store %arg7[%swap3A_554, %swap3A_555, %swap3A_556], %swap3A_559 {strides = array<i32>} : memref<3x200x128xf32, #tpu.memory_space<vmem>>, vector<1x1x16xf32>,
        %mul3A_560 = arith.constant 2 : i32
        %mul3A_561 = arith.muli %scan3A_427, %mul3A_560 : i32
        %add3A_562 = arith.constant 1 : i32
        %add3A_563 = arith.addi %mul3A_561, %add3A_562 : i32
        %swap3A_564 = arith.constant 2 : i32
        %swap3A_565 = arith.index_cast %swap3A_564 : i32 to index
        %swap3A_566 = arith.index_cast %add3A_563 : i32 to index
        %swap3A_567 = arith.constant 64 : index
        %swap3A_568 = tpu.vector_load %arg7[%swap3A_565, %swap3A_566, %swap3A_567] {strides = array<i32>} : memref<3x200x128xf32, #tpu.memory_space<vmem>>, vector<1x1x16xf32>,
        %swap3A_569 = vector.shape_cast %swap3A_568 : vector<1x1x16xf32> to vector<16xf32>
        %swap3A_570 = vector.shape_cast %get3A_388 : vector<16xf32> to vector<1x1x16xf32>
        tpu.vector_store %arg7[%swap3A_565, %swap3A_566, %swap3A_567], %swap3A_570 {strides = array<i32>} : memref<3x200x128xf32, #tpu.memory_space<vmem>>, vector<1x1x16xf32>,
        %mul3A_571 = arith.constant 2 : i32
        %mul3A_572 = arith.muli %scan3A_427, %mul3A_571 : i32
        %add3A_573 = arith.constant 1 : i32
        %add3A_574 = arith.addi %mul3A_572, %add3A_573 : i32
        %swap3A_575 = arith.constant 2 : i32
        %swap3A_576 = arith.index_cast %swap3A_575 : i32 to index
        %swap3A_577 = arith.index_cast %add3A_574 : i32 to index
        %swap3A_578 = arith.constant 80 : index
        %swap3A_579 = tpu.vector_load %arg7[%swap3A_576, %swap3A_577, %swap3A_578] {strides = array<i32>} : memref<3x200x128xf32, #tpu.memory_space<vmem>>, vector<1x1x16xf32>,
        %swap3A_580 = vector.shape_cast %swap3A_579 : vector<1x1x16xf32> to vector<16xf32>
        %swap3A_581 = vector.shape_cast %get3A_392 : vector<16xf32> to vector<1x1x16xf32>
        tpu.vector_store %arg7[%swap3A_576, %swap3A_577, %swap3A_578], %swap3A_581 {strides = array<i32>} : memref<3x200x128xf32, #tpu.memory_space<vmem>>, vector<1x1x16xf32>,
        %mul3A_582 = arith.constant 2 : i32
        %mul3A_583 = arith.muli %scan3A_427, %mul3A_582 : i32
        %add3A_584 = arith.constant 1 : i32
        %add3A_585 = arith.addi %mul3A_583, %add3A_584 : i32
        %swap3A_586 = arith.constant 2 : i32
        %swap3A_587 = arith.index_cast %swap3A_586 : i32 to index
        %swap3A_588 = arith.index_cast %add3A_585 : i32 to index
        %swap3A_589 = arith.constant 96 : index
        %swap3A_590 = tpu.vector_load %arg7[%swap3A_587, %swap3A_588, %swap3A_589] {strides = array<i32>} : memref<3x200x128xf32, #tpu.memory_space<vmem>>, vector<1x1x16xf32>,
        %swap3A_591 = vector.shape_cast %swap3A_590 : vector<1x1x16xf32> to vector<16xf32>
        %swap3A_592 = vector.shape_cast %get3A_396 : vector<16xf32> to vector<1x1x16xf32>
        tpu.vector_store %arg7[%swap3A_587, %swap3A_588, %swap3A_589], %swap3A_592 {strides = array<i32>} : memref<3x200x128xf32, #tpu.memory_space<vmem>>, vector<1x1x16xf32>,
        %mul3A_593 = arith.constant 2 : i32
        %mul3A_594 = arith.muli %scan3A_427, %mul3A_593 : i32
        %add3A_595 = arith.constant 1 : i32
        %add3A_596 = arith.addi %mul3A_594, %add3A_595 : i32
        %swap3A_597 = arith.constant 2 : i32
        %swap3A_598 = arith.index_cast %swap3A_597 : i32 to index
        %swap3A_599 = arith.index_cast %add3A_596 : i32 to index
        %swap3A_600 = arith.constant 112 : index
        %swap3A_601 = tpu.vector_load %arg7[%swap3A_598, %swap3A_599, %swap3A_600] {strides = array<i32>} : memref<3x200x128xf32, #tpu.memory_space<vmem>>, vector<1x1x16xf32>,
        %swap3A_602 = vector.shape_cast %swap3A_601 : vector<1x1x16xf32> to vector<16xf32>
        %swap3A_603 = vector.shape_cast %get3A_400 : vector<16xf32> to vector<1x1x16xf32>
        tpu.vector_store %arg7[%swap3A_598, %swap3A_599, %swap3A_600], %swap3A_603 {strides = array<i32>} : memref<3x200x128xf32, #tpu.memory_space<vmem>>, vector<1x1x16xf32>,
        %scan3A_604 = arith.constant 0 : i32
        scf.yield %scan3A_604 : i32
      }
      %scan3A_407 = arith.constant 100 : i32
      %add3A_408 = arith.addi %mul3A_2, %add3A_363 : i32
      %dma_start3A_409 = arith.constant 2 : i32
      %dma_start3A_410 = arith.constant 0 : i32
      %dma_start3A_411 = arith.constant 0 : i32
      %dma_start3A_412 = tpu.memref_slice %arg7[%dma_start3A_409, %dma_start3A_410, %dma_start3A_411] : memref<3x200x128xf32, #tpu.memory_space<vmem>> -> memref<1x200x128xf32, #tpu.memory_space<vmem>>
      %dma_start3A_413 = tpu.memref_squeeze %dma_start3A_412 : memref<1x200x128xf32, #tpu.memory_space<vmem>> -> memref<200x128xf32, #tpu.memory_space<vmem>>
      %dma_start3A_414 = arith.constant 0 : i32
      %dma_start3A_415 = arith.constant 0 : i32
      %dma_start3A_416 = tpu.memref_slice %arg4[%add3A_408, %dma_start3A_414, %dma_start3A_415] : memref<4096x200x128xf32, #tpu.memory_space<hbm>> -> memref<1x200x128xf32, #tpu.memory_space<hbm>>
      %dma_start3A_417 = tpu.memref_squeeze %dma_start3A_416 : memref<1x200x128xf32, #tpu.memory_space<hbm>> -> memref<200x128xf32, #tpu.memory_space<hbm>>
      %dma_start3A_418 = arith.constant 0 : i32
      %dma_start3A_419 = arith.constant 0 : i32
      %dma_start3A_420 = tpu.memref_slice %arg4[%add3A_408, %dma_start3A_418, %dma_start3A_419] : memref<4096x200x128xf32, #tpu.memory_space<hbm>> -> memref<1x200x128xf32, #tpu.memory_space<hbm>>
      %dma_start3A_421 = tpu.memref_squeeze %dma_start3A_420 : memref<1x200x128xf32, #tpu.memory_space<hbm>> -> memref<200x128xf32, #tpu.memory_space<hbm>>
      %dma_start3A_422 = arith.constant 0 : i32
      %dma_start3A_423 = arith.constant 0 : i32
      %dma_start3A_424 = tpu.memref_slice %arg7[%dma_start3A_409, %dma_start3A_422, %dma_start3A_423] : memref<3x200x128xf32, #tpu.memory_space<vmem>> -> memref<1x200x128xf32, #tpu.memory_space<vmem>>
      %dma_start3A_425 = tpu.memref_squeeze %dma_start3A_424 : memref<1x200x128xf32, #tpu.memory_space<vmem>> -> memref<200x128xf32, #tpu.memory_space<vmem>>
      tpu.enqueue_dma source(%dma_start3A_425 : memref<200x128xf32, #tpu.memory_space<vmem>>) target(%dma_start3A_421 : memref<200x128xf32, #tpu.memory_space<hbm>>) target_semaphore(%arg11 : memref<!tpu.dma_semaphore, #tpu.memory_space<semaphore_mem>>)
      %scan3A_426 = arith.constant 0 : i32
      scf.yield %scan3A_426 : i32
    }
    %scan3A_12 = arith.constant 42 : i32
    %dma_wait3A_13 = arith.constant 0 : i32
    %dma_wait3A_14 = arith.constant 0 : i32
    %dma_wait3A_15 = arith.constant 0 : i32
    %dma_wait3A_16 = tpu.memref_slice %arg7[%dma_wait3A_13, %dma_wait3A_14, %dma_wait3A_15] : memref<3x200x128xf32, #tpu.memory_space<vmem>> -> memref<1x200x128xf32, #tpu.memory_space<vmem>>
    %dma_wait3A_17 = tpu.memref_squeeze %dma_wait3A_16 : memref<1x200x128xf32, #tpu.memory_space<vmem>> -> memref<200x128xf32, #tpu.memory_space<vmem>>
    %dma_wait3A_18 = arith.constant 0 : i32
    %dma_wait3A_19 = arith.constant 0 : i32
    %dma_wait3A_20 = tpu.memref_slice %arg4[%mul3A_2, %dma_wait3A_18, %dma_wait3A_19] : memref<4096x200x128xf32, #tpu.memory_space<hbm>> -> memref<1x200x128xf32, #tpu.memory_space<hbm>>
    %dma_wait3A_21 = tpu.memref_squeeze %dma_wait3A_20 : memref<1x200x128xf32, #tpu.memory_space<hbm>> -> memref<200x128xf32, #tpu.memory_space<hbm>>
    %dma_wait3A_22 = arith.constant 0 : i32
    %dma_wait3A_23 = arith.constant 0 : i32
    %dma_wait3A_24 = tpu.memref_slice %arg4[%mul3A_2, %dma_wait3A_22, %dma_wait3A_23] : memref<4096x200x128xf32, #tpu.memory_space<hbm>> -> memref<1x200x128xf32, #tpu.memory_space<hbm>>
    %dma_wait3A_25 = tpu.memref_squeeze %dma_wait3A_24 : memref<1x200x128xf32, #tpu.memory_space<hbm>> -> memref<200x128xf32, #tpu.memory_space<hbm>>
    %dma_wait3A_26 = arith.constant 0 : i32
    %dma_wait3A_27 = arith.constant 0 : i32
    %dma_wait3A_28 = tpu.memref_slice %arg7[%dma_wait3A_13, %dma_wait3A_26, %dma_wait3A_27] : memref<3x200x128xf32, #tpu.memory_space<vmem>> -> memref<1x200x128xf32, #tpu.memory_space<vmem>>
    %dma_wait3A_29 = tpu.memref_squeeze %dma_wait3A_28 : memref<1x200x128xf32, #tpu.memory_space<vmem>> -> memref<200x128xf32, #tpu.memory_space<vmem>>
    tpu.wait_dma2 semaphore(%arg9 : memref<!tpu.dma_semaphore, #tpu.memory_space<semaphore_mem>>) src(%dma_wait3A_29 : memref<200x128xf32, #tpu.memory_space<vmem>>) dst(%dma_wait3A_25 : memref<200x128xf32, #tpu.memory_space<hbm>>)
    %get3A = arith.constant 126 : i32
    %get3A_30 = arith.index_cast %get3A : i32 to index
    %get3A_31 = arith.constant 0 : index
    %get3A_32 = tpu.vector_load %arg6[%get3A_30, %get3A_31] {strides = array<i32>} : memref<128x128xf32, #tpu.memory_space<vmem>>, vector<1x16xf32>,
    %get3A_33 = vector.shape_cast %get3A_32 : vector<1x16xf32> to vector<16xf32>
    %get3A_34 = arith.constant 126 : i32
    %get3A_35 = arith.index_cast %get3A_34 : i32 to index
    %get3A_36 = arith.constant 16 : index
    %get3A_37 = tpu.vector_load %arg6[%get3A_35, %get3A_36] {strides = array<i32>} : memref<128x128xf32, #tpu.memory_space<vmem>>, vector<1x16xf32>,
    %get3A_38 = vector.shape_cast %get3A_37 : vector<1x16xf32> to vector<16xf32>
    %get3A_39 = arith.constant 126 : i32
    %get3A_40 = arith.index_cast %get3A_39 : i32 to index
    %get3A_41 = arith.constant 32 : index
    %get3A_42 = tpu.vector_load %arg6[%get3A_40, %get3A_41] {strides = array<i32>} : memref<128x128xf32, #tpu.memory_space<vmem>>, vector<1x16xf32>,
    %get3A_43 = vector.shape_cast %get3A_42 : vector<1x16xf32> to vector<16xf32>
    %get3A_44 = arith.constant 126 : i32
    %get3A_45 = arith.index_cast %get3A_44 : i32 to index
    %get3A_46 = arith.constant 48 : index
    %get3A_47 = tpu.vector_load %arg6[%get3A_45, %get3A_46] {strides = array<i32>} : memref<128x128xf32, #tpu.memory_space<vmem>>, vector<1x16xf32>,
    %get3A_48 = vector.shape_cast %get3A_47 : vector<1x16xf32> to vector<16xf32>
    %get3A_49 = arith.constant 126 : i32
    %get3A_50 = arith.index_cast %get3A_49 : i32 to index
    %get3A_51 = arith.constant 64 : index
    %get3A_52 = tpu.vector_load %arg6[%get3A_50, %get3A_51] {strides = array<i32>} : memref<128x128xf32, #tpu.memory_space<vmem>>, vector<1x16xf32>,
    %get3A_53 = vector.shape_cast %get3A_52 : vector<1x16xf32> to vector<16xf32>
    %get3A_54 = arith.constant 126 : i32
    %get3A_55 = arith.index_cast %get3A_54 : i32 to index
    %get3A_56 = arith.constant 80 : index
    %get3A_57 = tpu.vector_load %arg6[%get3A_55, %get3A_56] {strides = array<i32>} : memref<128x128xf32, #tpu.memory_space<vmem>>, vector<1x16xf32>,
    %get3A_58 = vector.shape_cast %get3A_57 : vector<1x16xf32> to vector<16xf32>
    %get3A_59 = arith.constant 126 : i32
    %get3A_60 = arith.index_cast %get3A_59 : i32 to index
    %get3A_61 = arith.constant 96 : index
    %get3A_62 = tpu.vector_load %arg6[%get3A_60, %get3A_61] {strides = array<i32>} : memref<128x128xf32, #tpu.memory_space<vmem>>, vector<1x16xf32>,
    %get3A_63 = vector.shape_cast %get3A_62 : vector<1x16xf32> to vector<16xf32>
    %get3A_64 = arith.constant 126 : i32
    %get3A_65 = arith.index_cast %get3A_64 : i32 to index
    %get3A_66 = arith.constant 112 : index
    %get3A_67 = tpu.vector_load %arg6[%get3A_65, %get3A_66] {strides = array<i32>} : memref<128x128xf32, #tpu.memory_space<vmem>>, vector<1x16xf32>,
    %get3A_68 = vector.shape_cast %get3A_67 : vector<1x16xf32> to vector<16xf32>
    %scan3A_69 = arith.constant 0 : i32
    %scan3A_70 = arith.constant 0 : i32
    %scan3A_71 = arith.constant 100 : i32
    %scan3A_72 = arith.addi %scan3A_70, %scan3A_71 : i32
    %scan3A_73 = arith.constant 1 : i32
    %scan3A_74 = scf.for %scan3A_229 = %scan3A_70 to %scan3A_72 step %scan3A_73 iter_args(%scan3A_230 = %scan3A_69) -> (i32)  : i32 {
      %mul3A_231 = arith.constant 2 : i32
      %mul3A_232 = arith.muli %scan3A_229, %mul3A_231 : i32
      %add3A_233 = arith.constant 0 : i32
      %add3A_234 = arith.addi %mul3A_232, %add3A_233 : i32
      %swap3A = arith.constant 0 : i32
      %swap3A_235 = arith.index_cast %swap3A : i32 to index
      %swap3A_236 = arith.index_cast %add3A_234 : i32 to index
      %swap3A_237 = arith.constant 0 : index
      %swap3A_238 = tpu.vector_load %arg7[%swap3A_235, %swap3A_236, %swap3A_237] {strides = array<i32>} : memref<3x200x128xf32, #tpu.memory_space<vmem>>, vector<1x1x16xf32>,
      %swap3A_239 = vector.shape_cast %swap3A_238 : vector<1x1x16xf32> to vector<16xf32>
      %swap3A_240 = vector.shape_cast %get3A_33 : vector<16xf32> to vector<1x1x16xf32>
      tpu.vector_store %arg7[%swap3A_235, %swap3A_236, %swap3A_237], %swap3A_240 {strides = array<i32>} : memref<3x200x128xf32, #tpu.memory_space<vmem>>, vector<1x1x16xf32>,
      %mul3A_241 = arith.constant 2 : i32
      %mul3A_242 = arith.muli %scan3A_229, %mul3A_241 : i32
      %add3A_243 = arith.constant 0 : i32
      %add3A_244 = arith.addi %mul3A_242, %add3A_243 : i32
      %swap3A_245 = arith.constant 0 : i32
      %swap3A_246 = arith.index_cast %swap3A_245 : i32 to index
      %swap3A_247 = arith.index_cast %add3A_244 : i32 to index
      %swap3A_248 = arith.constant 16 : index
      %swap3A_249 = tpu.vector_load %arg7[%swap3A_246, %swap3A_247, %swap3A_248] {strides = array<i32>} : memref<3x200x128xf32, #tpu.memory_space<vmem>>, vector<1x1x16xf32>,
      %swap3A_250 = vector.shape_cast %swap3A_249 : vector<1x1x16xf32> to vector<16xf32>
      %swap3A_251 = vector.shape_cast %get3A_38 : vector<16xf32> to vector<1x1x16xf32>
      tpu.vector_store %arg7[%swap3A_246, %swap3A_247, %swap3A_248], %swap3A_251 {strides = array<i32>} : memref<3x200x128xf32, #tpu.memory_space<vmem>>, vector<1x1x16xf32>,
      %mul3A_252 = arith.constant 2 : i32
      %mul3A_253 = arith.muli %scan3A_229, %mul3A_252 : i32
      %add3A_254 = arith.constant 0 : i32
      %add3A_255 = arith.addi %mul3A_253, %add3A_254 : i32
      %swap3A_256 = arith.constant 0 : i32
      %swap3A_257 = arith.index_cast %swap3A_256 : i32 to index
      %swap3A_258 = arith.index_cast %add3A_255 : i32 to index
      %swap3A_259 = arith.constant 32 : index
      %swap3A_260 = tpu.vector_load %arg7[%swap3A_257, %swap3A_258, %swap3A_259] {strides = array<i32>} : memref<3x200x128xf32, #tpu.memory_space<vmem>>, vector<1x1x16xf32>,
      %swap3A_261 = vector.shape_cast %swap3A_260 : vector<1x1x16xf32> to vector<16xf32>
      %swap3A_262 = vector.shape_cast %get3A_43 : vector<16xf32> to vector<1x1x16xf32>
      tpu.vector_store %arg7[%swap3A_257, %swap3A_258, %swap3A_259], %swap3A_262 {strides = array<i32>} : memref<3x200x128xf32, #tpu.memory_space<vmem>>, vector<1x1x16xf32>,
      %mul3A_263 = arith.constant 2 : i32
      %mul3A_264 = arith.muli %scan3A_229, %mul3A_263 : i32
      %add3A_265 = arith.constant 0 : i32
      %add3A_266 = arith.addi %mul3A_264, %add3A_265 : i32
      %swap3A_267 = arith.constant 0 : i32
      %swap3A_268 = arith.index_cast %swap3A_267 : i32 to index
      %swap3A_269 = arith.index_cast %add3A_266 : i32 to index
      %swap3A_270 = arith.constant 48 : index
      %swap3A_271 = tpu.vector_load %arg7[%swap3A_268, %swap3A_269, %swap3A_270] {strides = array<i32>} : memref<3x200x128xf32, #tpu.memory_space<vmem>>, vector<1x1x16xf32>,
      %swap3A_272 = vector.shape_cast %swap3A_271 : vector<1x1x16xf32> to vector<16xf32>
      %swap3A_273 = vector.shape_cast %get3A_48 : vector<16xf32> to vector<1x1x16xf32>
      tpu.vector_store %arg7[%swap3A_268, %swap3A_269, %swap3A_270], %swap3A_273 {strides = array<i32>} : memref<3x200x128xf32, #tpu.memory_space<vmem>>, vector<1x1x16xf32>,
      %mul3A_274 = arith.constant 2 : i32
      %mul3A_275 = arith.muli %scan3A_229, %mul3A_274 : i32
      %add3A_276 = arith.constant 0 : i32
      %add3A_277 = arith.addi %mul3A_275, %add3A_276 : i32
      %swap3A_278 = arith.constant 0 : i32
      %swap3A_279 = arith.index_cast %swap3A_278 : i32 to index
      %swap3A_280 = arith.index_cast %add3A_277 : i32 to index
      %swap3A_281 = arith.constant 64 : index
      %swap3A_282 = tpu.vector_load %arg7[%swap3A_279, %swap3A_280, %swap3A_281] {strides = array<i32>} : memref<3x200x128xf32, #tpu.memory_space<vmem>>, vector<1x1x16xf32>,
      %swap3A_283 = vector.shape_cast %swap3A_282 : vector<1x1x16xf32> to vector<16xf32>
      %swap3A_284 = vector.shape_cast %get3A_53 : vector<16xf32> to vector<1x1x16xf32>
      tpu.vector_store %arg7[%swap3A_279, %swap3A_280, %swap3A_281], %swap3A_284 {strides = array<i32>} : memref<3x200x128xf32, #tpu.memory_space<vmem>>, vector<1x1x16xf32>,
      %mul3A_285 = arith.constant 2 : i32
      %mul3A_286 = arith.muli %scan3A_229, %mul3A_285 : i32
      %add3A_287 = arith.constant 0 : i32
      %add3A_288 = arith.addi %mul3A_286, %add3A_287 : i32
      %swap3A_289 = arith.constant 0 : i32
      %swap3A_290 = arith.index_cast %swap3A_289 : i32 to index
      %swap3A_291 = arith.index_cast %add3A_288 : i32 to index
      %swap3A_292 = arith.constant 80 : index
      %swap3A_293 = tpu.vector_load %arg7[%swap3A_290, %swap3A_291, %swap3A_292] {strides = array<i32>} : memref<3x200x128xf32, #tpu.memory_space<vmem>>, vector<1x1x16xf32>,
      %swap3A_294 = vector.shape_cast %swap3A_293 : vector<1x1x16xf32> to vector<16xf32>
      %swap3A_295 = vector.shape_cast %get3A_58 : vector<16xf32> to vector<1x1x16xf32>
      tpu.vector_store %arg7[%swap3A_290, %swap3A_291, %swap3A_292], %swap3A_295 {strides = array<i32>} : memref<3x200x128xf32, #tpu.memory_space<vmem>>, vector<1x1x16xf32>,
      %mul3A_296 = arith.constant 2 : i32
      %mul3A_297 = arith.muli %scan3A_229, %mul3A_296 : i32
      %add3A_298 = arith.constant 0 : i32
      %add3A_299 = arith.addi %mul3A_297, %add3A_298 : i32
      %swap3A_300 = arith.constant 0 : i32
      %swap3A_301 = arith.index_cast %swap3A_300 : i32 to index
      %swap3A_302 = arith.index_cast %add3A_299 : i32 to index
      %swap3A_303 = arith.constant 96 : index
      %swap3A_304 = tpu.vector_load %arg7[%swap3A_301, %swap3A_302, %swap3A_303] {strides = array<i32>} : memref<3x200x128xf32, #tpu.memory_space<vmem>>, vector<1x1x16xf32>,
      %swap3A_305 = vector.shape_cast %swap3A_304 : vector<1x1x16xf32> to vector<16xf32>
      %swap3A_306 = vector.shape_cast %get3A_63 : vector<16xf32> to vector<1x1x16xf32>
      tpu.vector_store %arg7[%swap3A_301, %swap3A_302, %swap3A_303], %swap3A_306 {strides = array<i32>} : memref<3x200x128xf32, #tpu.memory_space<vmem>>, vector<1x1x16xf32>,
      %mul3A_307 = arith.constant 2 : i32
      %mul3A_308 = arith.muli %scan3A_229, %mul3A_307 : i32
      %add3A_309 = arith.constant 0 : i32
      %add3A_310 = arith.addi %mul3A_308, %add3A_309 : i32
      %swap3A_311 = arith.constant 0 : i32
      %swap3A_312 = arith.index_cast %swap3A_311 : i32 to index
      %swap3A_313 = arith.index_cast %add3A_310 : i32 to index
      %swap3A_314 = arith.constant 112 : index
      %swap3A_315 = tpu.vector_load %arg7[%swap3A_312, %swap3A_313, %swap3A_314] {strides = array<i32>} : memref<3x200x128xf32, #tpu.memory_space<vmem>>, vector<1x1x16xf32>,
      %swap3A_316 = vector.shape_cast %swap3A_315 : vector<1x1x16xf32> to vector<16xf32>
      %swap3A_317 = vector.shape_cast %get3A_68 : vector<16xf32> to vector<1x1x16xf32>
      tpu.vector_store %arg7[%swap3A_312, %swap3A_313, %swap3A_314], %swap3A_317 {strides = array<i32>} : memref<3x200x128xf32, #tpu.memory_space<vmem>>, vector<1x1x16xf32>,
      %mul3A_318 = arith.constant 2 : i32
      %mul3A_319 = arith.muli %scan3A_229, %mul3A_318 : i32
      %add3A_320 = arith.constant 1 : i32
      %add3A_321 = arith.addi %mul3A_319, %add3A_320 : i32
      %swap3A_322 = arith.constant 0 : i32
      %swap3A_323 = arith.index_cast %swap3A_322 : i32 to index
      %swap3A_324 = arith.index_cast %add3A_321 : i32 to index
      %swap3A_325 = arith.constant 0 : index
      %swap3A_326 = tpu.vector_load %arg7[%swap3A_323, %swap3A_324, %swap3A_325] {strides = array<i32>} : memref<3x200x128xf32, #tpu.memory_space<vmem>>, vector<1x1x16xf32>,
      %swap3A_327 = vector.shape_cast %swap3A_326 : vector<1x1x16xf32> to vector<16xf32>
      %swap3A_328 = vector.shape_cast %get3A_33 : vector<16xf32> to vector<1x1x16xf32>
      tpu.vector_store %arg7[%swap3A_323, %swap3A_324, %swap3A_325], %swap3A_328 {strides = array<i32>} : memref<3x200x128xf32, #tpu.memory_space<vmem>>, vector<1x1x16xf32>,
      %mul3A_329 = arith.constant 2 : i32
      %mul3A_330 = arith.muli %scan3A_229, %mul3A_329 : i32
      %add3A_331 = arith.constant 1 : i32
      %add3A_332 = arith.addi %mul3A_330, %add3A_331 : i32
      %swap3A_333 = arith.constant 0 : i32
      %swap3A_334 = arith.index_cast %swap3A_333 : i32 to index
      %swap3A_335 = arith.index_cast %add3A_332 : i32 to index
      %swap3A_336 = arith.constant 16 : index
      %swap3A_337 = tpu.vector_load %arg7[%swap3A_334, %swap3A_335, %swap3A_336] {strides = array<i32>} : memref<3x200x128xf32, #tpu.memory_space<vmem>>, vector<1x1x16xf32>,
      %swap3A_338 = vector.shape_cast %swap3A_337 : vector<1x1x16xf32> to vector<16xf32>
      %swap3A_339 = vector.shape_cast %get3A_38 : vector<16xf32> to vector<1x1x16xf32>
      tpu.vector_store %arg7[%swap3A_334, %swap3A_335, %swap3A_336], %swap3A_339 {strides = array<i32>} : memref<3x200x128xf32, #tpu.memory_space<vmem>>, vector<1x1x16xf32>,
      %mul3A_340 = arith.constant 2 : i32
      %mul3A_341 = arith.muli %scan3A_229, %mul3A_340 : i32
      %add3A_342 = arith.constant 1 : i32
      %add3A_343 = arith.addi %mul3A_341, %add3A_342 : i32
      %swap3A_344 = arith.constant 0 : i32
      %swap3A_345 = arith.index_cast %swap3A_344 : i32 to index
      %swap3A_346 = arith.index_cast %add3A_343 : i32 to index
      %swap3A_347 = arith.constant 32 : index
      %swap3A_348 = tpu.vector_load %arg7[%swap3A_345, %swap3A_346, %swap3A_347] {strides = array<i32>} : memref<3x200x128xf32, #tpu.memory_space<vmem>>, vector<1x1x16xf32>,
      %swap3A_349 = vector.shape_cast %swap3A_348 : vector<1x1x16xf32> to vector<16xf32>
      %swap3A_350 = vector.shape_cast %get3A_43 : vector<16xf32> to vector<1x1x16xf32>
      tpu.vector_store %arg7[%swap3A_345, %swap3A_346, %swap3A_347], %swap3A_350 {strides = array<i32>} : memref<3x200x128xf32, #tpu.memory_space<vmem>>, vector<1x1x16xf32>,
      %mul3A_351 = arith.constant 2 : i32
      %mul3A_352 = arith.muli %scan3A_229, %mul3A_351 : i32
      %add3A_353 = arith.constant 1 : i32
      %add3A_354 = arith.addi %mul3A_352, %add3A_353 : i32
      %swap3A_355 = arith.constant 0 : i32
      %swap3A_356 = arith.index_cast %swap3A_355 : i32 to index
      %swap3A_357 = arith.index_cast %add3A_354 : i32 to index
      %swap3A_358 = arith.constant 48 : index
      %swap3A_359 = tpu.vector_load %arg7[%swap3A_356, %swap3A_357, %swap3A_358] {strides = array<i32>} : memref<3x200x128xf32, #tpu.memory_space<vmem>>, vector<1x1x16xf32>,
      %swap3A_360 = vector.shape_cast %swap3A_359 : vector<1x1x16xf32> to vector<16xf32>
      %swap3A_361 = vector.shape_cast %get3A_48 : vector<16xf32> to vector<1x1x16xf32>
      tpu.vector_store %arg7[%swap3A_356, %swap3A_357, %swap3A_358], %swap3A_361 {strides = array<i32>} : memref<3x200x128xf32, #tpu.memory_space<vmem>>, vector<1x1x16xf32>,
      %mul3A_362 = arith.constant 2 : i32
      %mul3A_363 = arith.muli %scan3A_229, %mul3A_362 : i32
      %add3A_364 = arith.constant 1 : i32
      %add3A_365 = arith.addi %mul3A_363, %add3A_364 : i32
      %swap3A_366 = arith.constant 0 : i32
      %swap3A_367 = arith.index_cast %swap3A_366 : i32 to index
      %swap3A_368 = arith.index_cast %add3A_365 : i32 to index
      %swap3A_369 = arith.constant 64 : index
      %swap3A_370 = tpu.vector_load %arg7[%swap3A_367, %swap3A_368, %swap3A_369] {strides = array<i32>} : memref<3x200x128xf32, #tpu.memory_space<vmem>>, vector<1x1x16xf32>,
      %swap3A_371 = vector.shape_cast %swap3A_370 : vector<1x1x16xf32> to vector<16xf32>
      %swap3A_372 = vector.shape_cast %get3A_53 : vector<16xf32> to vector<1x1x16xf32>
      tpu.vector_store %arg7[%swap3A_367, %swap3A_368, %swap3A_369], %swap3A_372 {strides = array<i32>} : memref<3x200x128xf32, #tpu.memory_space<vmem>>, vector<1x1x16xf32>,
      %mul3A_373 = arith.constant 2 : i32
      %mul3A_374 = arith.muli %scan3A_229, %mul3A_373 : i32
      %add3A_375 = arith.constant 1 : i32
      %add3A_376 = arith.addi %mul3A_374, %add3A_375 : i32
      %swap3A_377 = arith.constant 0 : i32
      %swap3A_378 = arith.index_cast %swap3A_377 : i32 to index
      %swap3A_379 = arith.index_cast %add3A_376 : i32 to index
      %swap3A_380 = arith.constant 80 : index
      %swap3A_381 = tpu.vector_load %arg7[%swap3A_378, %swap3A_379, %swap3A_380] {strides = array<i32>} : memref<3x200x128xf32, #tpu.memory_space<vmem>>, vector<1x1x16xf32>,
      %swap3A_382 = vector.shape_cast %swap3A_381 : vector<1x1x16xf32> to vector<16xf32>
      %swap3A_383 = vector.shape_cast %get3A_58 : vector<16xf32> to vector<1x1x16xf32>
      tpu.vector_store %arg7[%swap3A_378, %swap3A_379, %swap3A_380], %swap3A_383 {strides = array<i32>} : memref<3x200x128xf32, #tpu.memory_space<vmem>>, vector<1x1x16xf32>,
      %mul3A_384 = arith.constant 2 : i32
      %mul3A_385 = arith.muli %scan3A_229, %mul3A_384 : i32
      %add3A_386 = arith.constant 1 : i32
      %add3A_387 = arith.addi %mul3A_385, %add3A_386 : i32
      %swap3A_388 = arith.constant 0 : i32
      %swap3A_389 = arith.index_cast %swap3A_388 : i32 to index
      %swap3A_390 = arith.index_cast %add3A_387 : i32 to index
      %swap3A_391 = arith.constant 96 : index
      %swap3A_392 = tpu.vector_load %arg7[%swap3A_389, %swap3A_390, %swap3A_391] {strides = array<i32>} : memref<3x200x128xf32, #tpu.memory_space<vmem>>, vector<1x1x16xf32>,
      %swap3A_393 = vector.shape_cast %swap3A_392 : vector<1x1x16xf32> to vector<16xf32>
      %swap3A_394 = vector.shape_cast %get3A_63 : vector<16xf32> to vector<1x1x16xf32>
      tpu.vector_store %arg7[%swap3A_389, %swap3A_390, %swap3A_391], %swap3A_394 {strides = array<i32>} : memref<3x200x128xf32, #tpu.memory_space<vmem>>, vector<1x1x16xf32>,
      %mul3A_395 = arith.constant 2 : i32
      %mul3A_396 = arith.muli %scan3A_229, %mul3A_395 : i32
      %add3A_397 = arith.constant 1 : i32
      %add3A_398 = arith.addi %mul3A_396, %add3A_397 : i32
      %swap3A_399 = arith.constant 0 : i32
      %swap3A_400 = arith.index_cast %swap3A_399 : i32 to index
      %swap3A_401 = arith.index_cast %add3A_398 : i32 to index
      %swap3A_402 = arith.constant 112 : index
      %swap3A_403 = tpu.vector_load %arg7[%swap3A_400, %swap3A_401, %swap3A_402] {strides = array<i32>} : memref<3x200x128xf32, #tpu.memory_space<vmem>>, vector<1x1x16xf32>,
      %swap3A_404 = vector.shape_cast %swap3A_403 : vector<1x1x16xf32> to vector<16xf32>
      %swap3A_405 = vector.shape_cast %get3A_68 : vector<16xf32> to vector<1x1x16xf32>
      tpu.vector_store %arg7[%swap3A_400, %swap3A_401, %swap3A_402], %swap3A_405 {strides = array<i32>} : memref<3x200x128xf32, #tpu.memory_space<vmem>>, vector<1x1x16xf32>,
      %scan3A_406 = arith.constant 0 : i32
      scf.yield %scan3A_406 : i32
    }
    %scan3A_75 = arith.constant 100 : i32
    %add3A_76 = arith.constant 126 : i32
    %add3A_77 = arith.addi %mul3A_2, %add3A_76 : i32
    %dma_start3A_78 = arith.constant 0 : i32
    %dma_start3A_79 = arith.constant 0 : i32
    %dma_start3A_80 = arith.constant 0 : i32
    %dma_start3A_81 = tpu.memref_slice %arg7[%dma_start3A_78, %dma_start3A_79, %dma_start3A_80] : memref<3x200x128xf32, #tpu.memory_space<vmem>> -> memref<1x200x128xf32, #tpu.memory_space<vmem>>
    %dma_start3A_82 = tpu.memref_squeeze %dma_start3A_81 : memref<1x200x128xf32, #tpu.memory_space<vmem>> -> memref<200x128xf32, #tpu.memory_space<vmem>>
    %dma_start3A_83 = arith.constant 0 : i32
    %dma_start3A_84 = arith.constant 0 : i32
    %dma_start3A_85 = tpu.memref_slice %arg4[%add3A_77, %dma_start3A_83, %dma_start3A_84] : memref<4096x200x128xf32, #tpu.memory_space<hbm>> -> memref<1x200x128xf32, #tpu.memory_space<hbm>>
    %dma_start3A_86 = tpu.memref_squeeze %dma_start3A_85 : memref<1x200x128xf32, #tpu.memory_space<hbm>> -> memref<200x128xf32, #tpu.memory_space<hbm>>
    %dma_start3A_87 = arith.constant 0 : i32
    %dma_start3A_88 = arith.constant 0 : i32
    %dma_start3A_89 = tpu.memref_slice %arg4[%add3A_77, %dma_start3A_87, %dma_start3A_88] : memref<4096x200x128xf32, #tpu.memory_space<hbm>> -> memref<1x200x128xf32, #tpu.memory_space<hbm>>
    %dma_start3A_90 = tpu.memref_squeeze %dma_start3A_89 : memref<1x200x128xf32, #tpu.memory_space<hbm>> -> memref<200x128xf32, #tpu.memory_space<hbm>>
    %dma_start3A_91 = arith.constant 0 : i32
    %dma_start3A_92 = arith.constant 0 : i32
    %dma_start3A_93 = tpu.memref_slice %arg7[%dma_start3A_78, %dma_start3A_91, %dma_start3A_92] : memref<3x200x128xf32, #tpu.memory_space<vmem>> -> memref<1x200x128xf32, #tpu.memory_space<vmem>>
    %dma_start3A_94 = tpu.memref_squeeze %dma_start3A_93 : memref<1x200x128xf32, #tpu.memory_space<vmem>> -> memref<200x128xf32, #tpu.memory_space<vmem>>
    tpu.enqueue_dma source(%dma_start3A_94 : memref<200x128xf32, #tpu.memory_space<vmem>>) target(%dma_start3A_90 : memref<200x128xf32, #tpu.memory_space<hbm>>) target_semaphore(%arg9 : memref<!tpu.dma_semaphore, #tpu.memory_space<semaphore_mem>>)
    %dma_wait3A_95 = arith.constant 1 : i32
    %dma_wait3A_96 = arith.constant 0 : i32
    %dma_wait3A_97 = arith.constant 0 : i32
    %dma_wait3A_98 = tpu.memref_slice %arg7[%dma_wait3A_95, %dma_wait3A_96, %dma_wait3A_97] : memref<3x200x128xf32, #tpu.memory_space<vmem>> -> memref<1x200x128xf32, #tpu.memory_space<vmem>>
    %dma_wait3A_99 = tpu.memref_squeeze %dma_wait3A_98 : memref<1x200x128xf32, #tpu.memory_space<vmem>> -> memref<200x128xf32, #tpu.memory_space<vmem>>
    %dma_wait3A_100 = arith.constant 0 : i32
    %dma_wait3A_101 = arith.constant 0 : i32
    %dma_wait3A_102 = tpu.memref_slice %arg4[%mul3A_2, %dma_wait3A_100, %dma_wait3A_101] : memref<4096x200x128xf32, #tpu.memory_space<hbm>> -> memref<1x200x128xf32, #tpu.memory_space<hbm>>
    %dma_wait3A_103 = tpu.memref_squeeze %dma_wait3A_102 : memref<1x200x128xf32, #tpu.memory_space<hbm>> -> memref<200x128xf32, #tpu.memory_space<hbm>>
    %dma_wait3A_104 = arith.constant 0 : i32
    %dma_wait3A_105 = arith.constant 0 : i32
    %dma_wait3A_106 = tpu.memref_slice %arg4[%mul3A_2, %dma_wait3A_104, %dma_wait3A_105] : memref<4096x200x128xf32, #tpu.memory_space<hbm>> -> memref<1x200x128xf32, #tpu.memory_space<hbm>>
    %dma_wait3A_107 = tpu.memref_squeeze %dma_wait3A_106 : memref<1x200x128xf32, #tpu.memory_space<hbm>> -> memref<200x128xf32, #tpu.memory_space<hbm>>
    %dma_wait3A_108 = arith.constant 0 : i32
    %dma_wait3A_109 = arith.constant 0 : i32
    %dma_wait3A_110 = tpu.memref_slice %arg7[%dma_wait3A_95, %dma_wait3A_108, %dma_wait3A_109] : memref<3x200x128xf32, #tpu.memory_space<vmem>> -> memref<1x200x128xf32, #tpu.memory_space<vmem>>
    %dma_wait3A_111 = tpu.memref_squeeze %dma_wait3A_110 : memref<1x200x128xf32, #tpu.memory_space<vmem>> -> memref<200x128xf32, #tpu.memory_space<vmem>>
    tpu.wait_dma2 semaphore(%arg10 : memref<!tpu.dma_semaphore, #tpu.memory_space<semaphore_mem>>) src(%dma_wait3A_111 : memref<200x128xf32, #tpu.memory_space<vmem>>) dst(%dma_wait3A_107 : memref<200x128xf32, #tpu.memory_space<hbm>>)
    %get3A_112 = arith.constant 127 : i32
    %get3A_113 = arith.index_cast %get3A_112 : i32 to index
    %get3A_114 = arith.constant 0 : index
    %get3A_115 = tpu.vector_load %arg6[%get3A_113, %get3A_114] {strides = array<i32>} : memref<128x128xf32, #tpu.memory_space<vmem>>, vector<1x16xf32>,
    %get3A_116 = vector.shape_cast %get3A_115 : vector<1x16xf32> to vector<16xf32>
    %get3A_117 = arith.constant 127 : i32
    %get3A_118 = arith.index_cast %get3A_117 : i32 to index
    %get3A_119 = arith.constant 16 : index
    %get3A_120 = tpu.vector_load %arg6[%get3A_118, %get3A_119] {strides = array<i32>} : memref<128x128xf32, #tpu.memory_space<vmem>>, vector<1x16xf32>,
    %get3A_121 = vector.shape_cast %get3A_120 : vector<1x16xf32> to vector<16xf32>
    %get3A_122 = arith.constant 127 : i32
    %get3A_123 = arith.index_cast %get3A_122 : i32 to index
    %get3A_124 = arith.constant 32 : index
    %get3A_125 = tpu.vector_load %arg6[%get3A_123, %get3A_124] {strides = array<i32>} : memref<128x128xf32, #tpu.memory_space<vmem>>, vector<1x16xf32>,
    %get3A_126 = vector.shape_cast %get3A_125 : vector<1x16xf32> to vector<16xf32>
    %get3A_127 = arith.constant 127 : i32
    %get3A_128 = arith.index_cast %get3A_127 : i32 to index
    %get3A_129 = arith.constant 48 : index
    %get3A_130 = tpu.vector_load %arg6[%get3A_128, %get3A_129] {strides = array<i32>} : memref<128x128xf32, #tpu.memory_space<vmem>>, vector<1x16xf32>,
    %get3A_131 = vector.shape_cast %get3A_130 : vector<1x16xf32> to vector<16xf32>
    %get3A_132 = arith.constant 127 : i32
    %get3A_133 = arith.index_cast %get3A_132 : i32 to index
    %get3A_134 = arith.constant 64 : index
    %get3A_135 = tpu.vector_load %arg6[%get3A_133, %get3A_134] {strides = array<i32>} : memref<128x128xf32, #tpu.memory_space<vmem>>, vector<1x16xf32>,
    %get3A_136 = vector.shape_cast %get3A_135 : vector<1x16xf32> to vector<16xf32>
    %get3A_137 = arith.constant 127 : i32
    %get3A_138 = arith.index_cast %get3A_137 : i32 to index
    %get3A_139 = arith.constant 80 : index
    %get3A_140 = tpu.vector_load %arg6[%get3A_138, %get3A_139] {strides = array<i32>} : memref<128x128xf32, #tpu.memory_space<vmem>>, vector<1x16xf32>,
    %get3A_141 = vector.shape_cast %get3A_140 : vector<1x16xf32> to vector<16xf32>
    %get3A_142 = arith.constant 127 : i32
    %get3A_143 = arith.index_cast %get3A_142 : i32 to index
    %get3A_144 = arith.constant 96 : index
    %get3A_145 = tpu.vector_load %arg6[%get3A_143, %get3A_144] {strides = array<i32>} : memref<128x128xf32, #tpu.memory_space<vmem>>, vector<1x16xf32>,
    %get3A_146 = vector.shape_cast %get3A_145 : vector<1x16xf32> to vector<16xf32>
    %get3A_147 = arith.constant 127 : i32
    %get3A_148 = arith.index_cast %get3A_147 : i32 to index
    %get3A_149 = arith.constant 112 : index
    %get3A_150 = tpu.vector_load %arg6[%get3A_148, %get3A_149] {strides = array<i32>} : memref<128x128xf32, #tpu.memory_space<vmem>>, vector<1x16xf32>,
    %get3A_151 = vector.shape_cast %get3A_150 : vector<1x16xf32> to vector<16xf32>
    %scan3A_152 = arith.constant 0 : i32
    %scan3A_153 = arith.constant 0 : i32
    %scan3A_154 = arith.constant 100 : i32
    %scan3A_155 = arith.addi %scan3A_153, %scan3A_154 : i32
    %scan3A_156 = arith.constant 1 : i32
    %scan3A_157 = scf.for %scan3A_229 = %scan3A_153 to %scan3A_155 step %scan3A_156 iter_args(%scan3A_230 = %scan3A_152) -> (i32)  : i32 {
      %mul3A_231 = arith.constant 2 : i32
      %mul3A_232 = arith.muli %scan3A_229, %mul3A_231 : i32
      %add3A_233 = arith.constant 0 : i32
      %add3A_234 = arith.addi %mul3A_232, %add3A_233 : i32
      %swap3A = arith.constant 1 : i32
      %swap3A_235 = arith.index_cast %swap3A : i32 to index
      %swap3A_236 = arith.index_cast %add3A_234 : i32 to index
      %swap3A_237 = arith.constant 0 : index
      %swap3A_238 = tpu.vector_load %arg7[%swap3A_235, %swap3A_236, %swap3A_237] {strides = array<i32>} : memref<3x200x128xf32, #tpu.memory_space<vmem>>, vector<1x1x16xf32>,
      %swap3A_239 = vector.shape_cast %swap3A_238 : vector<1x1x16xf32> to vector<16xf32>
      %swap3A_240 = vector.shape_cast %get3A_116 : vector<16xf32> to vector<1x1x16xf32>
      tpu.vector_store %arg7[%swap3A_235, %swap3A_236, %swap3A_237], %swap3A_240 {strides = array<i32>} : memref<3x200x128xf32, #tpu.memory_space<vmem>>, vector<1x1x16xf32>,
      %mul3A_241 = arith.constant 2 : i32
      %mul3A_242 = arith.muli %scan3A_229, %mul3A_241 : i32
      %add3A_243 = arith.constant 0 : i32
      %add3A_244 = arith.addi %mul3A_242, %add3A_243 : i32
      %swap3A_245 = arith.constant 1 : i32
      %swap3A_246 = arith.index_cast %swap3A_245 : i32 to index
      %swap3A_247 = arith.index_cast %add3A_244 : i32 to index
      %swap3A_248 = arith.constant 16 : index
      %swap3A_249 = tpu.vector_load %arg7[%swap3A_246, %swap3A_247, %swap3A_248] {strides = array<i32>} : memref<3x200x128xf32, #tpu.memory_space<vmem>>, vector<1x1x16xf32>,
      %swap3A_250 = vector.shape_cast %swap3A_249 : vector<1x1x16xf32> to vector<16xf32>
      %swap3A_251 = vector.shape_cast %get3A_121 : vector<16xf32> to vector<1x1x16xf32>
      tpu.vector_store %arg7[%swap3A_246, %swap3A_247, %swap3A_248], %swap3A_251 {strides = array<i32>} : memref<3x200x128xf32, #tpu.memory_space<vmem>>, vector<1x1x16xf32>,
      %mul3A_252 = arith.constant 2 : i32
      %mul3A_253 = arith.muli %scan3A_229, %mul3A_252 : i32
      %add3A_254 = arith.constant 0 : i32
      %add3A_255 = arith.addi %mul3A_253, %add3A_254 : i32
      %swap3A_256 = arith.constant 1 : i32
      %swap3A_257 = arith.index_cast %swap3A_256 : i32 to index
      %swap3A_258 = arith.index_cast %add3A_255 : i32 to index
      %swap3A_259 = arith.constant 32 : index
      %swap3A_260 = tpu.vector_load %arg7[%swap3A_257, %swap3A_258, %swap3A_259] {strides = array<i32>} : memref<3x200x128xf32, #tpu.memory_space<vmem>>, vector<1x1x16xf32>,
      %swap3A_261 = vector.shape_cast %swap3A_260 : vector<1x1x16xf32> to vector<16xf32>
      %swap3A_262 = vector.shape_cast %get3A_126 : vector<16xf32> to vector<1x1x16xf32>
      tpu.vector_store %arg7[%swap3A_257, %swap3A_258, %swap3A_259], %swap3A_262 {strides = array<i32>} : memref<3x200x128xf32, #tpu.memory_space<vmem>>, vector<1x1x16xf32>,
      %mul3A_263 = arith.constant 2 : i32
      %mul3A_264 = arith.muli %scan3A_229, %mul3A_263 : i32
      %add3A_265 = arith.constant 0 : i32
      %add3A_266 = arith.addi %mul3A_264, %add3A_265 : i32
      %swap3A_267 = arith.constant 1 : i32
      %swap3A_268 = arith.index_cast %swap3A_267 : i32 to index
      %swap3A_269 = arith.index_cast %add3A_266 : i32 to index
      %swap3A_270 = arith.constant 48 : index
      %swap3A_271 = tpu.vector_load %arg7[%swap3A_268, %swap3A_269, %swap3A_270] {strides = array<i32>} : memref<3x200x128xf32, #tpu.memory_space<vmem>>, vector<1x1x16xf32>,
      %swap3A_272 = vector.shape_cast %swap3A_271 : vector<1x1x16xf32> to vector<16xf32>
      %swap3A_273 = vector.shape_cast %get3A_131 : vector<16xf32> to vector<1x1x16xf32>
      tpu.vector_store %arg7[%swap3A_268, %swap3A_269, %swap3A_270], %swap3A_273 {strides = array<i32>} : memref<3x200x128xf32, #tpu.memory_space<vmem>>, vector<1x1x16xf32>,
      %mul3A_274 = arith.constant 2 : i32
      %mul3A_275 = arith.muli %scan3A_229, %mul3A_274 : i32
      %add3A_276 = arith.constant 0 : i32
      %add3A_277 = arith.addi %mul3A_275, %add3A_276 : i32
      %swap3A_278 = arith.constant 1 : i32
      %swap3A_279 = arith.index_cast %swap3A_278 : i32 to index
      %swap3A_280 = arith.index_cast %add3A_277 : i32 to index
      %swap3A_281 = arith.constant 64 : index
      %swap3A_282 = tpu.vector_load %arg7[%swap3A_279, %swap3A_280, %swap3A_281] {strides = array<i32>} : memref<3x200x128xf32, #tpu.memory_space<vmem>>, vector<1x1x16xf32>,
      %swap3A_283 = vector.shape_cast %swap3A_282 : vector<1x1x16xf32> to vector<16xf32>
      %swap3A_284 = vector.shape_cast %get3A_136 : vector<16xf32> to vector<1x1x16xf32>
      tpu.vector_store %arg7[%swap3A_279, %swap3A_280, %swap3A_281], %swap3A_284 {strides = array<i32>} : memref<3x200x128xf32, #tpu.memory_space<vmem>>, vector<1x1x16xf32>,
      %mul3A_285 = arith.constant 2 : i32
      %mul3A_286 = arith.muli %scan3A_229, %mul3A_285 : i32
      %add3A_287 = arith.constant 0 : i32
      %add3A_288 = arith.addi %mul3A_286, %add3A_287 : i32
      %swap3A_289 = arith.constant 1 : i32
      %swap3A_290 = arith.index_cast %swap3A_289 : i32 to index
      %swap3A_291 = arith.index_cast %add3A_288 : i32 to index
      %swap3A_292 = arith.constant 80 : index
      %swap3A_293 = tpu.vector_load %arg7[%swap3A_290, %swap3A_291, %swap3A_292] {strides = array<i32>} : memref<3x200x128xf32, #tpu.memory_space<vmem>>, vector<1x1x16xf32>,
      %swap3A_294 = vector.shape_cast %swap3A_293 : vector<1x1x16xf32> to vector<16xf32>
      %swap3A_295 = vector.shape_cast %get3A_141 : vector<16xf32> to vector<1x1x16xf32>
      tpu.vector_store %arg7[%swap3A_290, %swap3A_291, %swap3A_292], %swap3A_295 {strides = array<i32>} : memref<3x200x128xf32, #tpu.memory_space<vmem>>, vector<1x1x16xf32>,
      %mul3A_296 = arith.constant 2 : i32
      %mul3A_297 = arith.muli %scan3A_229, %mul3A_296 : i32
      %add3A_298 = arith.constant 0 : i32
      %add3A_299 = arith.addi %mul3A_297, %add3A_298 : i32
      %swap3A_300 = arith.constant 1 : i32
      %swap3A_301 = arith.index_cast %swap3A_300 : i32 to index
      %swap3A_302 = arith.index_cast %add3A_299 : i32 to index
      %swap3A_303 = arith.constant 96 : index
      %swap3A_304 = tpu.vector_load %arg7[%swap3A_301, %swap3A_302, %swap3A_303] {strides = array<i32>} : memref<3x200x128xf32, #tpu.memory_space<vmem>>, vector<1x1x16xf32>,
      %swap3A_305 = vector.shape_cast %swap3A_304 : vector<1x1x16xf32> to vector<16xf32>
      %swap3A_306 = vector.shape_cast %get3A_146 : vector<16xf32> to vector<1x1x16xf32>
      tpu.vector_store %arg7[%swap3A_301, %swap3A_302, %swap3A_303], %swap3A_306 {strides = array<i32>} : memref<3x200x128xf32, #tpu.memory_space<vmem>>, vector<1x1x16xf32>,
      %mul3A_307 = arith.constant 2 : i32
      %mul3A_308 = arith.muli %scan3A_229, %mul3A_307 : i32
      %add3A_309 = arith.constant 0 : i32
      %add3A_310 = arith.addi %mul3A_308, %add3A_309 : i32
      %swap3A_311 = arith.constant 1 : i32
      %swap3A_312 = arith.index_cast %swap3A_311 : i32 to index
      %swap3A_313 = arith.index_cast %add3A_310 : i32 to index
      %swap3A_314 = arith.constant 112 : index
      %swap3A_315 = tpu.vector_load %arg7[%swap3A_312, %swap3A_313, %swap3A_314] {strides = array<i32>} : memref<3x200x128xf32, #tpu.memory_space<vmem>>, vector<1x1x16xf32>,
      %swap3A_316 = vector.shape_cast %swap3A_315 : vector<1x1x16xf32> to vector<16xf32>
      %swap3A_317 = vector.shape_cast %get3A_151 : vector<16xf32> to vector<1x1x16xf32>
      tpu.vector_store %arg7[%swap3A_312, %swap3A_313, %swap3A_314], %swap3A_317 {strides = array<i32>} : memref<3x200x128xf32, #tpu.memory_space<vmem>>, vector<1x1x16xf32>,
      %mul3A_318 = arith.constant 2 : i32
      %mul3A_319 = arith.muli %scan3A_229, %mul3A_318 : i32
      %add3A_320 = arith.constant 1 : i32
      %add3A_321 = arith.addi %mul3A_319, %add3A_320 : i32
      %swap3A_322 = arith.constant 1 : i32
      %swap3A_323 = arith.index_cast %swap3A_322 : i32 to index
      %swap3A_324 = arith.index_cast %add3A_321 : i32 to index
      %swap3A_325 = arith.constant 0 : index
      %swap3A_326 = tpu.vector_load %arg7[%swap3A_323, %swap3A_324, %swap3A_325] {strides = array<i32>} : memref<3x200x128xf32, #tpu.memory_space<vmem>>, vector<1x1x16xf32>,
      %swap3A_327 = vector.shape_cast %swap3A_326 : vector<1x1x16xf32> to vector<16xf32>
      %swap3A_328 = vector.shape_cast %get3A_116 : vector<16xf32> to vector<1x1x16xf32>
      tpu.vector_store %arg7[%swap3A_323, %swap3A_324, %swap3A_325], %swap3A_328 {strides = array<i32>} : memref<3x200x128xf32, #tpu.memory_space<vmem>>, vector<1x1x16xf32>,
      %mul3A_329 = arith.constant 2 : i32
      %mul3A_330 = arith.muli %scan3A_229, %mul3A_329 : i32
      %add3A_331 = arith.constant 1 : i32
      %add3A_332 = arith.addi %mul3A_330, %add3A_331 : i32
      %swap3A_333 = arith.constant 1 : i32
      %swap3A_334 = arith.index_cast %swap3A_333 : i32 to index
      %swap3A_335 = arith.index_cast %add3A_332 : i32 to index
      %swap3A_336 = arith.constant 16 : index
      %swap3A_337 = tpu.vector_load %arg7[%swap3A_334, %swap3A_335, %swap3A_336] {strides = array<i32>} : memref<3x200x128xf32, #tpu.memory_space<vmem>>, vector<1x1x16xf32>,
      %swap3A_338 = vector.shape_cast %swap3A_337 : vector<1x1x16xf32> to vector<16xf32>
      %swap3A_339 = vector.shape_cast %get3A_121 : vector<16xf32> to vector<1x1x16xf32>
      tpu.vector_store %arg7[%swap3A_334, %swap3A_335, %swap3A_336], %swap3A_339 {strides = array<i32>} : memref<3x200x128xf32, #tpu.memory_space<vmem>>, vector<1x1x16xf32>,
      %mul3A_340 = arith.constant 2 : i32
      %mul3A_341 = arith.muli %scan3A_229, %mul3A_340 : i32
      %add3A_342 = arith.constant 1 : i32
      %add3A_343 = arith.addi %mul3A_341, %add3A_342 : i32
      %swap3A_344 = arith.constant 1 : i32
      %swap3A_345 = arith.index_cast %swap3A_344 : i32 to index
      %swap3A_346 = arith.index_cast %add3A_343 : i32 to index
      %swap3A_347 = arith.constant 32 : index
      %swap3A_348 = tpu.vector_load %arg7[%swap3A_345, %swap3A_346, %swap3A_347] {strides = array<i32>} : memref<3x200x128xf32, #tpu.memory_space<vmem>>, vector<1x1x16xf32>,
      %swap3A_349 = vector.shape_cast %swap3A_348 : vector<1x1x16xf32> to vector<16xf32>
      %swap3A_350 = vector.shape_cast %get3A_126 : vector<16xf32> to vector<1x1x16xf32>
      tpu.vector_store %arg7[%swap3A_345, %swap3A_346, %swap3A_347], %swap3A_350 {strides = array<i32>} : memref<3x200x128xf32, #tpu.memory_space<vmem>>, vector<1x1x16xf32>,
      %mul3A_351 = arith.constant 2 : i32
      %mul3A_352 = arith.muli %scan3A_229, %mul3A_351 : i32
      %add3A_353 = arith.constant 1 : i32
      %add3A_354 = arith.addi %mul3A_352, %add3A_353 : i32
      %swap3A_355 = arith.constant 1 : i32
      %swap3A_356 = arith.index_cast %swap3A_355 : i32 to index
      %swap3A_357 = arith.index_cast %add3A_354 : i32 to index
      %swap3A_358 = arith.constant 48 : index
      %swap3A_359 = tpu.vector_load %arg7[%swap3A_356, %swap3A_357, %swap3A_358] {strides = array<i32>} : memref<3x200x128xf32, #tpu.memory_space<vmem>>, vector<1x1x16xf32>,
      %swap3A_360 = vector.shape_cast %swap3A_359 : vector<1x1x16xf32> to vector<16xf32>
      %swap3A_361 = vector.shape_cast %get3A_131 : vector<16xf32> to vector<1x1x16xf32>
      tpu.vector_store %arg7[%swap3A_356, %swap3A_357, %swap3A_358], %swap3A_361 {strides = array<i32>} : memref<3x200x128xf32, #tpu.memory_space<vmem>>, vector<1x1x16xf32>,
      %mul3A_362 = arith.constant 2 : i32
      %mul3A_363 = arith.muli %scan3A_229, %mul3A_362 : i32
      %add3A_364 = arith.constant 1 : i32
      %add3A_365 = arith.addi %mul3A_363, %add3A_364 : i32
      %swap3A_366 = arith.constant 1 : i32
      %swap3A_367 = arith.index_cast %swap3A_366 : i32 to index
      %swap3A_368 = arith.index_cast %add3A_365 : i32 to index
      %swap3A_369 = arith.constant 64 : index
      %swap3A_370 = tpu.vector_load %arg7[%swap3A_367, %swap3A_368, %swap3A_369] {strides = array<i32>} : memref<3x200x128xf32, #tpu.memory_space<vmem>>, vector<1x1x16xf32>,
      %swap3A_371 = vector.shape_cast %swap3A_370 : vector<1x1x16xf32> to vector<16xf32>
      %swap3A_372 = vector.shape_cast %get3A_136 : vector<16xf32> to vector<1x1x16xf32>
      tpu.vector_store %arg7[%swap3A_367, %swap3A_368, %swap3A_369], %swap3A_372 {strides = array<i32>} : memref<3x200x128xf32, #tpu.memory_space<vmem>>, vector<1x1x16xf32>,
      %mul3A_373 = arith.constant 2 : i32
      %mul3A_374 = arith.muli %scan3A_229, %mul3A_373 : i32
      %add3A_375 = arith.constant 1 : i32
      %add3A_376 = arith.addi %mul3A_374, %add3A_375 : i32
      %swap3A_377 = arith.constant 1 : i32
      %swap3A_378 = arith.index_cast %swap3A_377 : i32 to index
      %swap3A_379 = arith.index_cast %add3A_376 : i32 to index
      %swap3A_380 = arith.constant 80 : index
      %swap3A_381 = tpu.vector_load %arg7[%swap3A_378, %swap3A_379, %swap3A_380] {strides = array<i32>} : memref<3x200x128xf32, #tpu.memory_space<vmem>>, vector<1x1x16xf32>,
      %swap3A_382 = vector.shape_cast %swap3A_381 : vector<1x1x16xf32> to vector<16xf32>
      %swap3A_383 = vector.shape_cast %get3A_141 : vector<16xf32> to vector<1x1x16xf32>
      tpu.vector_store %arg7[%swap3A_378, %swap3A_379, %swap3A_380], %swap3A_383 {strides = array<i32>} : memref<3x200x128xf32, #tpu.memory_space<vmem>>, vector<1x1x16xf32>,
      %mul3A_384 = arith.constant 2 : i32
      %mul3A_385 = arith.muli %scan3A_229, %mul3A_384 : i32
      %add3A_386 = arith.constant 1 : i32
      %add3A_387 = arith.addi %mul3A_385, %add3A_386 : i32
      %swap3A_388 = arith.constant 1 : i32
      %swap3A_389 = arith.index_cast %swap3A_388 : i32 to index
      %swap3A_390 = arith.index_cast %add3A_387 : i32 to index
      %swap3A_391 = arith.constant 96 : index
      %swap3A_392 = tpu.vector_load %arg7[%swap3A_389, %swap3A_390, %swap3A_391] {strides = array<i32>} : memref<3x200x128xf32, #tpu.memory_space<vmem>>, vector<1x1x16xf32>,
      %swap3A_393 = vector.shape_cast %swap3A_392 : vector<1x1x16xf32> to vector<16xf32>
      %swap3A_394 = vector.shape_cast %get3A_146 : vector<16xf32> to vector<1x1x16xf32>
      tpu.vector_store %arg7[%swap3A_389, %swap3A_390, %swap3A_391], %swap3A_394 {strides = array<i32>} : memref<3x200x128xf32, #tpu.memory_space<vmem>>, vector<1x1x16xf32>,
      %mul3A_395 = arith.constant 2 : i32
      %mul3A_396 = arith.muli %scan3A_229, %mul3A_395 : i32
      %add3A_397 = arith.constant 1 : i32
      %add3A_398 = arith.addi %mul3A_396, %add3A_397 : i32
      %swap3A_399 = arith.constant 1 : i32
      %swap3A_400 = arith.index_cast %swap3A_399 : i32 to index
      %swap3A_401 = arith.index_cast %add3A_398 : i32 to index
      %swap3A_402 = arith.constant 112 : index
      %swap3A_403 = tpu.vector_load %arg7[%swap3A_400, %swap3A_401, %swap3A_402] {strides = array<i32>} : memref<3x200x128xf32, #tpu.memory_space<vmem>>, vector<1x1x16xf32>,
      %swap3A_404 = vector.shape_cast %swap3A_403 : vector<1x1x16xf32> to vector<16xf32>
      %swap3A_405 = vector.shape_cast %get3A_151 : vector<16xf32> to vector<1x1x16xf32>
      tpu.vector_store %arg7[%swap3A_400, %swap3A_401, %swap3A_402], %swap3A_405 {strides = array<i32>} : memref<3x200x128xf32, #tpu.memory_space<vmem>>, vector<1x1x16xf32>,
      %scan3A_406 = arith.constant 0 : i32
      scf.yield %scan3A_406 : i32
    }
    %scan3A_158 = arith.constant 100 : i32
    %add3A_159 = arith.constant 127 : i32
    %add3A_160 = arith.addi %mul3A_2, %add3A_159 : i32
    %dma_start3A_161 = arith.constant 1 : i32
    %dma_start3A_162 = arith.constant 0 : i32
    %dma_start3A_163 = arith.constant 0 : i32
    %dma_start3A_164 = tpu.memref_slice %arg7[%dma_start3A_161, %dma_start3A_162, %dma_start3A_163] : memref<3x200x128xf32, #tpu.memory_space<vmem>> -> memref<1x200x128xf32, #tpu.memory_space<vmem>>
    %dma_start3A_165 = tpu.memref_squeeze %dma_start3A_164 : memref<1x200x128xf32, #tpu.memory_space<vmem>> -> memref<200x128xf32, #tpu.memory_space<vmem>>
    %dma_start3A_166 = arith.constant 0 : i32
    %dma_start3A_167 = arith.constant 0 : i32
    %dma_start3A_168 = tpu.memref_slice %arg4[%add3A_160, %dma_start3A_166, %dma_start3A_167] : memref<4096x200x128xf32, #tpu.memory_space<hbm>> -> memref<1x200x128xf32, #tpu.memory_space<hbm>>
    %dma_start3A_169 = tpu.memref_squeeze %dma_start3A_168 : memref<1x200x128xf32, #tpu.memory_space<hbm>> -> memref<200x128xf32, #tpu.memory_space<hbm>>
    %dma_start3A_170 = arith.constant 0 : i32
    %dma_start3A_171 = arith.constant 0 : i32
    %dma_start3A_172 = tpu.memref_slice %arg4[%add3A_160, %dma_start3A_170, %dma_start3A_171] : memref<4096x200x128xf32, #tpu.memory_space<hbm>> -> memref<1x200x128xf32, #tpu.memory_space<hbm>>
    %dma_start3A_173 = tpu.memref_squeeze %dma_start3A_172 : memref<1x200x128xf32, #tpu.memory_space<hbm>> -> memref<200x128xf32, #tpu.memory_space<hbm>>
    %dma_start3A_174 = arith.constant 0 : i32
    %dma_start3A_175 = arith.constant 0 : i32
    %dma_start3A_176 = tpu.memref_slice %arg7[%dma_start3A_161, %dma_start3A_174, %dma_start3A_175] : memref<3x200x128xf32, #tpu.memory_space<vmem>> -> memref<1x200x128xf32, #tpu.memory_space<vmem>>
    %dma_start3A_177 = tpu.memref_squeeze %dma_start3A_176 : memref<1x200x128xf32, #tpu.memory_space<vmem>> -> memref<200x128xf32, #tpu.memory_space<vmem>>
    tpu.enqueue_dma source(%dma_start3A_177 : memref<200x128xf32, #tpu.memory_space<vmem>>) target(%dma_start3A_173 : memref<200x128xf32, #tpu.memory_space<hbm>>) target_semaphore(%arg10 : memref<!tpu.dma_semaphore, #tpu.memory_space<semaphore_mem>>)
    %dma_wait3A_178 = arith.constant 0 : i32
    %dma_wait3A_179 = arith.constant 0 : i32
    %dma_wait3A_180 = arith.constant 0 : i32
    %dma_wait3A_181 = tpu.memref_slice %arg7[%dma_wait3A_178, %dma_wait3A_179, %dma_wait3A_180] : memref<3x200x128xf32, #tpu.memory_space<vmem>> -> memref<1x200x128xf32, #tpu.memory_space<vmem>>
    %dma_wait3A_182 = tpu.memref_squeeze %dma_wait3A_181 : memref<1x200x128xf32, #tpu.memory_space<vmem>> -> memref<200x128xf32, #tpu.memory_space<vmem>>
    %dma_wait3A_183 = arith.constant 0 : i32
    %dma_wait3A_184 = arith.constant 0 : i32
    %dma_wait3A_185 = tpu.memref_slice %arg4[%mul3A_2, %dma_wait3A_183, %dma_wait3A_184] : memref<4096x200x128xf32, #tpu.memory_space<hbm>> -> memref<1x200x128xf32, #tpu.memory_space<hbm>>
    %dma_wait3A_186 = tpu.memref_squeeze %dma_wait3A_185 : memref<1x200x128xf32, #tpu.memory_space<hbm>> -> memref<200x128xf32, #tpu.memory_space<hbm>>
    %dma_wait3A_187 = arith.constant 0 : i32
    %dma_wait3A_188 = arith.constant 0 : i32
    %dma_wait3A_189 = tpu.memref_slice %arg4[%mul3A_2, %dma_wait3A_187, %dma_wait3A_188] : memref<4096x200x128xf32, #tpu.memory_space<hbm>> -> memref<1x200x128xf32, #tpu.memory_space<hbm>>
    %dma_wait3A_190 = tpu.memref_squeeze %dma_wait3A_189 : memref<1x200x128xf32, #tpu.memory_space<hbm>> -> memref<200x128xf32, #tpu.memory_space<hbm>>
    %dma_wait3A_191 = arith.constant 0 : i32
    %dma_wait3A_192 = arith.constant 0 : i32
    %dma_wait3A_193 = tpu.memref_slice %arg7[%dma_wait3A_178, %dma_wait3A_191, %dma_wait3A_192] : memref<3x200x128xf32, #tpu.memory_space<vmem>> -> memref<1x200x128xf32, #tpu.memory_space<vmem>>
    %dma_wait3A_194 = tpu.memref_squeeze %dma_wait3A_193 : memref<1x200x128xf32, #tpu.memory_space<vmem>> -> memref<200x128xf32, #tpu.memory_space<vmem>>
    tpu.wait_dma2 semaphore(%arg9 : memref<!tpu.dma_semaphore, #tpu.memory_space<semaphore_mem>>) src(%dma_wait3A_194 : memref<200x128xf32, #tpu.memory_space<vmem>>) dst(%dma_wait3A_190 : memref<200x128xf32, #tpu.memory_space<hbm>>)
    %dma_wait3A_195 = arith.constant 1 : i32
    %dma_wait3A_196 = arith.constant 0 : i32
    %dma_wait3A_197 = arith.constant 0 : i32
    %dma_wait3A_198 = tpu.memref_slice %arg7[%dma_wait3A_195, %dma_wait3A_196, %dma_wait3A_197] : memref<3x200x128xf32, #tpu.memory_space<vmem>> -> memref<1x200x128xf32, #tpu.memory_space<vmem>>
    %dma_wait3A_199 = tpu.memref_squeeze %dma_wait3A_198 : memref<1x200x128xf32, #tpu.memory_space<vmem>> -> memref<200x128xf32, #tpu.memory_space<vmem>>
    %dma_wait3A_200 = arith.constant 0 : i32
    %dma_wait3A_201 = arith.constant 0 : i32
    %dma_wait3A_202 = tpu.memref_slice %arg4[%mul3A_2, %dma_wait3A_200, %dma_wait3A_201] : memref<4096x200x128xf32, #tpu.memory_space<hbm>> -> memref<1x200x128xf32, #tpu.memory_space<hbm>>
    %dma_wait3A_203 = tpu.memref_squeeze %dma_wait3A_202 : memref<1x200x128xf32, #tpu.memory_space<hbm>> -> memref<200x128xf32, #tpu.memory_space<hbm>>
    %dma_wait3A_204 = arith.constant 0 : i32
    %dma_wait3A_205 = arith.constant 0 : i32
    %dma_wait3A_206 = tpu.memref_slice %arg4[%mul3A_2, %dma_wait3A_204, %dma_wait3A_205] : memref<4096x200x128xf32, #tpu.memory_space<hbm>> -> memref<1x200x128xf32, #tpu.memory_space<hbm>>
    %dma_wait3A_207 = tpu.memref_squeeze %dma_wait3A_206 : memref<1x200x128xf32, #tpu.memory_space<hbm>> -> memref<200x128xf32, #tpu.memory_space<hbm>>
    %dma_wait3A_208 = arith.constant 0 : i32
    %dma_wait3A_209 = arith.constant 0 : i32
    %dma_wait3A_210 = tpu.memref_slice %arg7[%dma_wait3A_195, %dma_wait3A_208, %dma_wait3A_209] : memref<3x200x128xf32, #tpu.memory_space<vmem>> -> memref<1x200x128xf32, #tpu.memory_space<vmem>>
    %dma_wait3A_211 = tpu.memref_squeeze %dma_wait3A_210 : memref<1x200x128xf32, #tpu.memory_space<vmem>> -> memref<200x128xf32, #tpu.memory_space<vmem>>
    tpu.wait_dma2 semaphore(%arg10 : memref<!tpu.dma_semaphore, #tpu.memory_space<semaphore_mem>>) src(%dma_wait3A_211 : memref<200x128xf32, #tpu.memory_space<vmem>>) dst(%dma_wait3A_207 : memref<200x128xf32, #tpu.memory_space<hbm>>)
    %dma_wait3A_212 = arith.constant 2 : i32
    %dma_wait3A_213 = arith.constant 0 : i32
    %dma_wait3A_214 = arith.constant 0 : i32
    %dma_wait3A_215 = tpu.memref_slice %arg7[%dma_wait3A_212, %dma_wait3A_213, %dma_wait3A_214] : memref<3x200x128xf32, #tpu.memory_space<vmem>> -> memref<1x200x128xf32, #tpu.memory_space<vmem>>
    %dma_wait3A_216 = tpu.memref_squeeze %dma_wait3A_215 : memref<1x200x128xf32, #tpu.memory_space<vmem>> -> memref<200x128xf32, #tpu.memory_space<vmem>>
    %dma_wait3A_217 = arith.constant 0 : i32
    %dma_wait3A_218 = arith.constant 0 : i32
    %dma_wait3A_219 = tpu.memref_slice %arg4[%mul3A_2, %dma_wait3A_217, %dma_wait3A_218] : memref<4096x200x128xf32, #tpu.memory_space<hbm>> -> memref<1x200x128xf32, #tpu.memory_space<hbm>>
    %dma_wait3A_220 = tpu.memref_squeeze %dma_wait3A_219 : memref<1x200x128xf32, #tpu.memory_space<hbm>> -> memref<200x128xf32, #tpu.memory_space<hbm>>
    %dma_wait3A_221 = arith.constant 0 : i32
    %dma_wait3A_222 = arith.constant 0 : i32
    %dma_wait3A_223 = tpu.memref_slice %arg4[%mul3A_2, %dma_wait3A_221, %dma_wait3A_222] : memref<4096x200x128xf32, #tpu.memory_space<hbm>> -> memref<1x200x128xf32, #tpu.memory_space<hbm>>
    %dma_wait3A_224 = tpu.memref_squeeze %dma_wait3A_223 : memref<1x200x128xf32, #tpu.memory_space<hbm>> -> memref<200x128xf32, #tpu.memory_space<hbm>>
    %dma_wait3A_225 = arith.constant 0 : i32
    %dma_wait3A_226 = arith.constant 0 : i32
    %dma_wait3A_227 = tpu.memref_slice %arg7[%dma_wait3A_212, %dma_wait3A_225, %dma_wait3A_226] : memref<3x200x128xf32, #tpu.memory_space<vmem>> -> memref<1x200x128xf32, #tpu.memory_space<vmem>>
    %dma_wait3A_228 = tpu.memref_squeeze %dma_wait3A_227 : memref<1x200x128xf32, #tpu.memory_space<vmem>> -> memref<200x128xf32, #tpu.memory_space<vmem>>
    tpu.wait_dma2 semaphore(%arg11 : memref<!tpu.dma_semaphore, #tpu.memory_space<semaphore_mem>>) src(%dma_wait3A_228 : memref<200x128xf32, #tpu.memory_space<vmem>>) dst(%dma_wait3A_224 : memref<200x128xf32, #tpu.memory_space<hbm>>)
    return
  }
}

</mosaic_0001>

<sc_bundles>
// kernel: kernel.3.cloned.1.call-start
scs
__scs_entry_jumppad:
0x0: {  	(pc) =	sbr.rel $0x88, $3  }
0x1: {  	(tag) =	ssettag $0x0;
	lr =	simm.s32 $0x1  }
0x2: {  	[smem:$0x3F9F] =	sst lr;
	_ =	strace $0xD0000000  }
0x3: {  	_ = 	snop  }
0x4: {  	_ = 	snop  }
0x5: {  	_ = 	snop  }
0x6: {  	_ = 	snop  }
0x7: {  	_ = 	snop  }
__scs_overlays_trampoline_lowered:
0x8: {  	[smem:$0x3FAE] =	sst s0  }
0x9: {  	[smem:$0x3FAF] =	sst s1  }
0xa: {  	[smem:$0x3FB0] =	sst s2  }
0xb: {  	[smem:$0x3FB1] =	sst s3  }
0xc: {  	[smem:$0x3FB2] =	sst s4  }
0xd: {  	[smem:$0x3FB3] =	sst s5  }
0xe: {  	[smem:$0x3FB4] =	sst s6  }
0xf: {  	[smem:$0x3FB5] =	sst s7  }
0x10: {  	[smem:$0x3FB6] =	sst s8  }
0x11: {  	[smem:$0x3FB7] =	sst s9;
	s0 =	simm.s32 @!p0 $0x0  }
0x12: {  	s1 =	sld [smem:$0x3F9D];
	s0 =	simm.s32 @p0 $0x1  }
0x13: {  	[smem:$0x3FB8] =	sst s0;
	s0 =	simm.s32 @!p1 $0x0  }
0x14: {  	s2 =	sld [smem:$0x3F9C];
	s0 =	simm.s32 @p1 $0x1  }
0x15: {  	[smem:$0x3FB9] =	sst s0;
	s0 =	simm.s32 @!p2 $0x0  }
0x16: {  	s3 =	sld [smem:$0x3FDB];
	s0 =	simm.s32 @p2 $0x1  }
0x17: {  	s4 =	simm.s32 $0x1BF5;
	[smem:$0x3FBB] =	sst s0  }
0x18: {  	s0 =	sld [smem:$0x3F9E];
	_ =	swait.ge [sflag:s4], $0x0  }
0x19: {  	s7 =	sld [smem:$0x3F9F]  }
0x1a: {  	s8 =	sadd.s32 $0xFFFFE003, lr  }
0x1b: {  	s9 =	sadd.s32 $0xFFFFFEF7, lr;
	s5 =	simm.s32 $0xFFFFFFFF;
	p2 =	slt.u32 s8, $0xFFFFF086  }
0x1c: {  	p1 =	slt.u32 s9, $0xF7A;
	s5 =	simm.s32 @!p2 $0x0  }
0x1d: {  	s5 =	simm.s32 @p1 $0x1;
	p0 =	seq.s32 s7, s2  }
0x1e: {  	s7 =	smul.u32 @!p0 $0xF7A, s2;
	p2 =	seq.s32 @!p0 s5, $0x0  }
0x1f: {  	s9 =	smul.u32 $0xF7A, s1;
	s8 =	simm.s32 @!p0 $0x1BF5;
	p2 =	por !p2, p0  }
0x20: {  	[sflag:s8] =	ssyncset.s32 @!p0 $0xFFFFF086;
	s6 =	sadd.s32 @!p0 s3, s7;
	s7 =	simm.s32 @!p0 $0x108  }
0x21: {  	s3 =	sadd.s32 s3, s9;
	s6 =	sadd.s32 @!p0 $0x88, s6;
	s7 =	simm.s32 @p2 $0x1082  }
0x22: {  	[simem:s7], [sflag:s8] =	dma.local @!p0 [hbm:s6], $0xF7A  }
0x23: {  	s9 =	sor.u32 $0xD0000000, s2;
	s6 =	simm.s32 $0x108;
	_ =	swait.ge @!p0 [sflag:s8], $0x0  }
0x24: {  	s3 =	sadd.s32 $0x88, s3;
	s6 =	simm.s32 @!p1 $0x1082;
	[sflag:s4] =	ssyncset.s32 $0xFFFFF086  }
0x25: {  	[simem:s6], [sflag:s4] =	dma.local [hbm:s3], $0xF7A  }
0x26: {  	[smem:$0x3F9F] =	sst s1;
	(tag) =	ssettag s2;
	_ =	strace s9  }
0x27: {  	s1 =	sld [smem:$0x3FAF]  }
0x28: {  	s2 =	sld [smem:$0x3FB0]  }
0x29: {  	s4 =	sld [smem:$0x3FB2]  }
0x2a: {  	p0 =	seq.s32 s5, $0x0;
	s5 =	sld [smem:$0x3FB3]  }
0x2b: {  	s6 =	sld [smem:$0x3FB4]  }
0x2c: {  	s7 =	sld [smem:$0x3FB5]  }
0x2d: {  	s3 =	simm.s32 $0x108;
	s8 =	sld [smem:$0x3FB6]  }
0x2e: {  	s3 =	simm.s32 @!p0 $0x1082;
	s9 =	sld [smem:$0x3FB7]  }
0x2f: {  	lr =	sadd.s32 s0, s3;
	s0 =	sld [smem:$0x3FAE]  }
0x30: {  	s3 =	sld [smem:$0x3FB1]  }
0x31: {  	[smem:$0x3FBA] =	sst s10  }
0x32: {  	s10 =	sld [smem:$0x3FB8];
	_ =	sdelay $0x3  }
0x33: {  	p0 =	seq.s32 s10, $0x1;
	s10 =	sld [smem:$0x3FBA];
	_ =	sdelay $0x3  }
0x34: {  	[smem:$0x3FBA] =	sst s10  }
0x35: {  	s10 =	sld [smem:$0x3FB9];
	_ =	sdelay $0x3  }
0x36: {  	p1 =	seq.s32 s10, $0x1;
	s10 =	sld [smem:$0x3FBA];
	_ =	sdelay $0x3  }
0x37: {  	[smem:$0x3FBA] =	sst s10  }
0x38: {  	s10 =	sld [smem:$0x3FBB]  }
0x39: {  	_ = 	snop;
	(pc) =	sbr.ind lr, $3  }
0x3a: {  	_ = 	snop  }
0x3b: {  	_ = 	snop  }
0x3c: {  	p2 =	seq.s32 s10, $0x1;
	s10 =	sld [smem:$0x3FBA]  }
0x3d: {  	_ =	shalt  }
0x3e: {  	_ =	shalt  }
0x3f: {  	_ =	shalt  }
0x40: {  	_ =	shalt  }
0x41: {  	_ =	shalt  }
0x42: {  	_ =	shalt  }
0x43: {  	_ =	shalt  }
0x44: {  	_ =	shalt  }
0x45: {  	_ =	shalt  }
0x46: {  	_ =	shalt  }
0x47: {  	_ =	shalt  }
0x48: {  	_ =	shalt  }
0x49: {  	_ =	shalt  }
0x4a: {  	_ =	shalt  }
0x4b: {  	_ =	shalt  }
0x4c: {  	_ =	shalt  }
0x4d: {  	_ =	shalt  }
0x4e: {  	_ =	shalt  }
0x4f: {  	_ =	shalt  }
0x50: {  	_ =	shalt  }
0x51: {  	_ =	shalt  }
0x52: {  	_ =	shalt  }
0x53: {  	_ =	shalt  }
0x54: {  	_ =	shalt  }
0x55: {  	_ =	shalt  }
0x56: {  	_ =	shalt  }
0x57: {  	_ =	shalt  }
0x58: {  	_ =	shalt  }
0x59: {  	_ =	shalt  }
0x5a: {  	_ =	shalt  }
0x5b: {  	_ =	shalt  }
0x5c: {  	_ =	shalt  }
0x5d: {  	_ =	shalt  }
0x5e: {  	_ =	shalt  }
0x5f: {  	_ =	shalt  }
0x60: {  	_ =	shalt  }
0x61: {  	_ =	shalt  }
0x62: {  	_ =	shalt  }
0x63: {  	_ =	shalt  }
0x64: {  	_ =	shalt  }
0x65: {  	_ =	shalt  }
0x66: {  	_ =	shalt  }
0x67: {  	_ =	shalt  }
0x68: {  	_ =	shalt  }
0x69: {  	_ =	shalt  }
0x6a: {  	_ =	shalt  }
0x6b: {  	_ =	shalt  }
0x6c: {  	_ =	shalt  }
0x6d: {  	_ =	shalt  }
0x6e: {  	_ =	shalt  }
0x6f: {  	_ =	shalt  }
0x70: {  	_ =	shalt  }
0x71: {  	_ =	shalt  }
0x72: {  	_ =	shalt  }
0x73: {  	_ =	shalt  }
0x74: {  	_ =	shalt  }
0x75: {  	_ =	shalt  }
0x76: {  	_ =	shalt  }
0x77: {  	_ =	shalt  }
0x78: {  	_ =	shalt  }
0x79: {  	_ =	shalt  }
0x7a: {  	_ =	shalt  }
0x7b: {  	_ =	shalt  }
0x7c: {  	_ =	shalt  }
0x7d: {  	_ =	shalt  }
0x7e: {  	_ =	shalt  }
0x7f: {  	_ =	shalt  }
0x80: {  	_ =	shalt  }
0x81: {  	_ =	shalt  }
0x82: {  	_ =	shalt  }
0x83: {  	_ =	shalt  }
0x84: {  	_ =	shalt  }
0x85: {  	_ =	shalt  }
0x86: {  	_ =	shalt  }
0x87: {  	_ =	shalt  }
.Lfunc_end0:
.L_simem_size_0:
called_computation_lowered:
.L_overlay_start_0:
0x88: {  	s2 =	sld [smem:$0x3FD9]  }
0x89: {  	s3 =	sld [smem:$0x3FFE];
	_ =	sdelay $0x1  }
0x8a: {  	s1 =	srdreg.scid  }
0x8b: {  	s0 =	sand.u32 $0x1, s1  }
0x8c: {  	s18 =	sshll.u32 s0, $0xA;
	s2 =	sadd.s32 s3, s2  }
0x8d: {  	s2 =	sadd.s32 s2, s18  }
0x8e: {  	[smem:$0x3FC6] =	sst s2  }
0x8f: {  	_ = 	snop  }
0x90: {  	s2 =	sld [smem:$0x3FC9]  }
0x91: {  	s19 =	sld [smem:$0x3FC8]  }
0x92: {  	s4 =	sld [smem:$0x3FD0];
	(tm) =	ssettm $0x1  }
0x93: {  	s5 =	sld [smem:$0x3FFB];
	_ =	sdelay $0x3  }
0x94: {  	_ =	strace s5  }
0x95: {  	s5 =	sld [smem:$0x3FFC];
	_ =	sdelay $0x3  }
0x96: {  	_ =	strace s5  }
0x97: {  	s5 =	sld [smem:$0x3FFD];
	_ =	sdelay $0x3  }
0x98: {  	_ =	strace s5  }
0x99: {  	_ =	strace $0x8FFFFFFF  }
0x9a: {  	s20 =	sld [smem:$0x3FDB];
	_ =	sdelay $0x1  }
0x9b: {  	s6 =	simm.s32 $_scs_section_size  }
0x9c: {  	s7 =	simm.s32 $_size__tile_overlayer_lowered;
	s8 =	simm.s32 $_tile_overlayer_lowered  }
0x9d: {  	s23 =	simm.s32 $0x1BFF;
	s22 =	sshll.u32 s8, $0x1;
	s5 =	sadd.s32 s6, s20  }
0x9e: {  	s9 =	simm.s32 $0x0;
	s21 =	sshll.u32 s7, $0x1;
	s7 =	sadd.s32 s22, s5  }
0x9f: {  	[timem:s9], [sflag:s23] =	dma.local [hbm:s7], s21  }
0xa0: {  	_ =	swait.ge [sflag:s23], s21  }
0xa1: {  	s6 =	ssub.s32 $0x0, s21;
	[sflag:s23] =	ssyncset.done $0x0  }
0xa2: {  	[sflag:s23] =	ssyncadd.s32 s6;
	_ =	sdelay $0x1  }
0xa3: {  	s24 =	simm.s32 $0x1B8B  }
0xa4: {  	_ =	swait.ge [sflag:s24], $0x1  }
0xa5: {  	[sflag:s24] =	ssyncset.done $0x0  }
0xa6: {  	s25 =	simm.s32 $0x1B8E;
	[sflag:s24] =	ssyncadd.s32 $0xFFFFFFFF  }
0xa7: {  	s26 =	simm.s32 $execute0_lowered;
	[smem:$0x3FD2] =	sst s25  }
0xa8: {  	s6 =	sshll.u32 s26, $0x1;
	_ =	strace $0x80000046;
	[dreg:$0x1] =	wrdreg $0xFFFFFFFF  }
0xa9: {  	s28 =	simm.s32 $_size_execute0_lowered;
	s5 =	sadd.s32 s5, s6;
	[dreg:$0x0] =	wrdreg $0x0  }
0xaa: {  	s6 =	sshll.u32 s28, $0x1;
	[dreg:$0x2] =	wrdreg s5  }
0xab: {  	[dreg:$0x3] =	wrdreg s6  }
0xac: {  	[dreg:$0x4] =	wrdreg $0xC0  }
0xad: {  	_ =	task [dreg:s9], $0x5FFFF  }
0xae: {  	[dreg:$0x1] =	wrdreg $0xFFFFFFFF  }
0xaf: {  	[dreg:$0x0] =	wrdreg $0x60  }
0xb0: {  	[dreg:$0x2] =	wrdreg s2  }
0xb1: {  	[dreg:$0x3] =	wrdreg s19  }
0xb2: {  	[dreg:$0x4] =	wrdreg s4  }
0xb3: {  	[dreg:$0x5] =	wrdreg $0x9  }
0xb4: {  	_ =	task.clear_ibuf [dreg:s9], $0x6FFFF;
	_ =	strace $0x90000046  }
0xb5: {  	s29 =	simm.s32 $0x9;
	_ =	strace $0x80000048  }
0xb6: {  	_ =	swait.ge [sflag:s29], $0x1  }
0xb7: {  	[sflag:s29] =	ssyncadd.s32 $0xFFFFFFFF  }
0xb8: {  	_ =	strace $0x90000048  }
0xb9: {  	_ =	sfence  }
0xba: {  	s30 =	sld [smem:$0x0];
	_ =	sdelay $0x2  }
0xbb: {  	s31 =	sshll.u32 s1, $0xD;
	s1 =	sshrl.u32 s1, $0x2  }
0xbc: {  	s3 =	sand.u32 $0x4000, s31;
	s1 =	sadd.s32 s1, s30  }
0xbd: {  	s0 =	sor.u32 s3, s0;
	s1 =	sshll.u32 s1, $0x11  }
0xbe: {  	s0 =	sor.u32 s1, s0  }
0xbf: {  	s0 =	sadd.s32 $0x8F2B, s0  }
0xc0: {  	[sflag:s0] =	ssyncadd.remote.s32 $0x1  }
0xc1: {  	_ =	sfence.sel $0xFFFF  }
0xc2: {  	[dreg:$0x0] =	wrdreg $0xFFFFFFFF;
	(pc) =	sbr.abs _section_cstart, $3  }
0xc3: {  	[dreg:$0x1] =	wrdreg $0xFFFFFFFF  }
0xc4: {  	_ =	task.clear_ibuf [dreg:s9], $0x2FFFF;
	_ =	strace $0x9FFFFFFF  }
0xc5: {  	(tm) =	ssettm $0x7FFFFFFF  }
tec
execute0_lowered:
.L_overlay_start_1:
0x0: {  	(tag) =	ssettag $0x1  }
0x1: {  	s1 =	srdreg.scid;
	s6 =	rddreg [dreg:$0x0]  }
0x2: {  	s0 =	stileid.u32;
	s2 =	rddreg [dreg:$0x1]  }
0x3: {  	s3 =	rddreg [dreg:$0x2];
	s5 =	simm.s32 $0x0;
	s11 =	simm.s32 $0x80  }
0x4: {  	s12 =	simm.s32 $0x1;
	s13 =	simm.s32 $0x4080;
	s14 =	simm.s32 $0xA480  }
0x5: {  	s15 =	simm.s32 $0x10880;
	s16 =	simm.s32 $0x2;
	s7 =	sand.u32 $0x1, s1  }
0x6: {  	s17 =	simm.s32 $0x3;
	s31 =	sshll.u32 s0, $0x8;
	s4 =	sshll.u32 s7, $0x7  }
0x7: {  	s18 =	simm.s32 $0x4;
	s19 =	simm.s32 $0x0;
	s4 =	sor.u32 s4, s31  }
0x8: {  	[smem:$0x7FF] =	sst s5;
	s7 =	ssub.s32 $0x2, s7;
	s8 =	smul.u32 $0x6400, s4  }
0x9: {  	s1 =	rddreg [dreg:$0x3];
	_ =	strace $0x80000047;
	s9 =	sshrl.u32 s7, $0x1  }
0xa: {  	s10 =	sshrl.u32 s4, $0x3;
	s9 =	ssub.s32 s7, s9;
	s8 =	sshrl.u32 s8, $0x3  }
0xb: {  	s6 =	sadd.s32 s6, s10;
	s9 =	smax.u32 s9, $0x1;
	s8 =	sadd.s32 s3, s8  }
0xc: {  	s10 =	simm.s32 $0x5;
	s7 =	sadd.s32 $0x62700, s8;
	s8 =	sadd.s32 $0x63380, s8  }
.LBB2_1:
0xd: {  	[tilespmem:s5], [sflag:$0x5] =	stream.linear.gather [hbm4b:s6+s5], $0x80, $0x38;
	[tilespmem:$0x16C80] =	vst v63  }
0xe: {  	_ =	swait.ge [sflag:s10], $0x80  }
0xf: {  	[sflag:s10] =	ssyncset.done $0x0  }
0x10: {  	[sflag:s10] =	ssyncadd.s32 $0xFFFFFF80  }
0x11: {  	[tilespmem:s11], [sflag:$0x1] =	stream.indirect.gather [hbm4b:s2+s11], $0x80, s5, s11, $0xb8;
	[tilespmem:$0x16C80] =	vst v63  }
0x12: {  	_ =	swait.ge [sflag:s12], $0x4000  }
0x13: {  	[sflag:s12] =	ssyncset.done $0x0  }
0x14: {  	s20 =	simm.s32 $0x0;
	[sflag:s12] =	ssyncadd.s32 $0xFFFFC000  }
.LBB2_2:
0x15: {  	p0 =	seq.s32 s20, $0x0  }
0x16: {  	s21 =	simm.s32 @!p0 $0x2  }
0x17: {  	s22 =	smul.u32 $0x600, s20;
	_ =	swait.ge @!p0 [sflag:s21], $0x6400  }
0x18: {  	[sflag:s21] =	ssyncset.done @!p0 $0x0  }
0x19: {  	s22 =	sshra.s32 s22, $0x2;
	[sflag:s21] =	ssyncadd.s32 @!p0 $0xFFFF9C00  }
0x1a: {  	v3 =	vld [tilespmem:s22+$0x80]  }
0x1b: {  	v4 =	vld [tilespmem:s22+$0x90]  }
0x1c: {  	v5 =	vld [tilespmem:s22+$0xA0]  }
0x1d: {  	v7 =	vld [tilespmem:s22+$0xF0]  }
0x1e: {  	v6 =	vld [tilespmem:s22+$0xB0]  }
0x1f: {  	v2 =	vld [tilespmem:s22+$0xC0]  }
0x20: {  	v0 =	vld [tilespmem:s22+$0xD0]  }
0x21: {  	s23 =	simm.s32 $0x400;
	s21 =	smul.u32 $0x3, s20;
	v1 =	vld [tilespmem:s22+$0xE0];
	s22 =	simm.s32 $0x0  }
.LBB2_3:
0x22: {  	p1 =	sne.s32 s23, $0x18C00;
	[tilespmem:s22+$0x4170] =	vst v7  }
0x23: {  	[tilespmem:s22+$0x4080] =	vst v3  }
0x24: {  	[tilespmem:s22+$0x4090] =	vst v4  }
0x25: {  	[tilespmem:s22+$0x40A0] =	vst v5  }
0x26: {  	[tilespmem:s22+$0x40B0] =	vst v6  }
0x27: {  	[tilespmem:s22+$0x40C0] =	vst v2  }
0x28: {  	[tilespmem:s22+$0x40D0] =	vst v0  }
0x29: {  	[tilespmem:s22+$0x40E0] =	vst v1  }
0x2a: {  	[tilespmem:s22+$0x40F0] =	vst v7  }
0x2b: {  	[tilespmem:s22+$0x4100] =	vst v3  }
0x2c: {  	[tilespmem:s22+$0x4110] =	vst v4  }
.Ltmp0:
0x2d: {  	[tilespmem:s22+$0x4120] =	vst v5;
	(pc) =	sbr.rel @p1 .LBB2_3-.Ltmp0, $4  }
0x2e: {  	[tilespmem:s22+$0x4130] =	vst v6  }
0x2f: {  	[tilespmem:s22+$0x4140] =	vst v2  }
0x30: {  	[tilespmem:s22+$0x4150] =	vst v0  }
0x31: {  	[tilespmem:s22+$0x4160] =	vst v1;
	s22 =	sshra.s32 s23, $0x2;
	s23 =	sadd.s32 $0x400, s23  }
0x32: {  	[tilespmem:s22+$0x4170] =	vst v7  }
0x33: {  	[tilespmem:s22+$0x4080] =	vst v3  }
0x34: {  	[tilespmem:s22+$0x4090] =	vst v4  }
0x35: {  	[tilespmem:s22+$0x40A0] =	vst v5  }
0x36: {  	[tilespmem:s22+$0x40B0] =	vst v6  }
0x37: {  	[tilespmem:s22+$0x40C0] =	vst v2  }
0x38: {  	[tilespmem:s22+$0x40D0] =	vst v0  }
0x39: {  	[tilespmem:s22+$0x40E0] =	vst v1  }
0x3a: {  	[tilespmem:s22+$0x40F0] =	vst v7  }
0x3b: {  	[tilespmem:s22+$0x4100] =	vst v3  }
0x3c: {  	[tilespmem:s22+$0x4110] =	vst v4  }
0x3d: {  	[tilespmem:s22+$0x4120] =	vst v5  }
0x3e: {  	[tilespmem:s22+$0x4130] =	vst v6;
	s23 =	sadd.s32 s4, s21  }
0x3f: {  	[tilespmem:s22+$0x4140] =	vst v2;
	s23 =	smul.u32 $0xC80, s23  }
0x40: {  	[tilespmem:s22+$0x4150] =	vst v0  }
0x41: {  	[tilespmem:s22+$0x4160] =	vst v1;
	s30 =	sadd.s32 s3, s23;
	s23 =	simm.s32 @!p0 $0x3  }
0x42: {  	[hbm4b:s30+s5] =	stream.linear.scatter [tilespmem:s13], [sflag:$0x2], $0x6400, $0x38;
	[tilespmem:$0x16C80] =	vst v63  }
0x43: {  	s22 =	sadd.s32 $0x1, s21;
	_ =	swait.ge @!p0 [sflag:s23], $0x6400  }
0x44: {  	s24 =	sshll.u32 s22, $0x7;
	[sflag:s23] =	ssyncset.done @!p0 $0x0  }
0x45: {  	s31 =	sand.u32 $0x3FFFFF80, s24;
	[sflag:s23] =	ssyncadd.s32 @!p0 $0xFFFF9C00  }
0x46: {  	v3 =	vld [tilespmem:s31+$0x80]  }
0x47: {  	v4 =	vld [tilespmem:s31+$0x90]  }
0x48: {  	v5 =	vld [tilespmem:s31+$0xA0]  }
0x49: {  	v7 =	vld [tilespmem:s31+$0xF0]  }
0x4a: {  	v6 =	vld [tilespmem:s31+$0xB0]  }
0x4b: {  	v2 =	vld [tilespmem:s31+$0xC0]  }
0x4c: {  	v0 =	vld [tilespmem:s31+$0xD0]  }
0x4d: {  	s24 =	simm.s32 $0x400;
	s23 =	simm.s32 $0x0;
	v1 =	vld [tilespmem:s31+$0xE0]  }
.LBB2_5:
0x4e: {  	p1 =	sne.s32 s24, $0x18C00;
	[tilespmem:s23+$0xA570] =	vst v7  }
0x4f: {  	[tilespmem:s23+$0xA480] =	vst v3  }
0x50: {  	[tilespmem:s23+$0xA490] =	vst v4  }
0x51: {  	[tilespmem:s23+$0xA4A0] =	vst v5  }
0x52: {  	[tilespmem:s23+$0xA4B0] =	vst v6  }
0x53: {  	[tilespmem:s23+$0xA4C0] =	vst v2  }
0x54: {  	[tilespmem:s23+$0xA4D0] =	vst v0  }
0x55: {  	[tilespmem:s23+$0xA4E0] =	vst v1  }
0x56: {  	[tilespmem:s23+$0xA4F0] =	vst v7  }
0x57: {  	[tilespmem:s23+$0xA500] =	vst v3  }
0x58: {  	[tilespmem:s23+$0xA510] =	vst v4  }
.Ltmp1:
0x59: {  	[tilespmem:s23+$0xA520] =	vst v5;
	(pc) =	sbr.rel @p1 .LBB2_5-.Ltmp1, $4  }
0x5a: {  	[tilespmem:s23+$0xA530] =	vst v6  }
0x5b: {  	[tilespmem:s23+$0xA540] =	vst v2  }
0x5c: {  	[tilespmem:s23+$0xA550] =	vst v0  }
0x5d: {  	[tilespmem:s23+$0xA560] =	vst v1;
	s23 =	sshra.s32 s24, $0x2;
	s24 =	sadd.s32 $0x400, s24  }
0x5e: {  	[tilespmem:s23+$0xA570] =	vst v7  }
0x5f: {  	[tilespmem:s23+$0xA480] =	vst v3  }
0x60: {  	[tilespmem:s23+$0xA490] =	vst v4  }
0x61: {  	[tilespmem:s23+$0xA4A0] =	vst v5  }
0x62: {  	[tilespmem:s23+$0xA4B0] =	vst v6  }
0x63: {  	[tilespmem:s23+$0xA4C0] =	vst v2  }
0x64: {  	[tilespmem:s23+$0xA4D0] =	vst v0  }
0x65: {  	[tilespmem:s23+$0xA4E0] =	vst v1  }
0x66: {  	[tilespmem:s23+$0xA4F0] =	vst v7  }
0x67: {  	[tilespmem:s23+$0xA500] =	vst v3  }
0x68: {  	[tilespmem:s23+$0xA510] =	vst v4  }
0x69: {  	[tilespmem:s23+$0xA520] =	vst v5  }
0x6a: {  	[tilespmem:s23+$0xA530] =	vst v6;
	s22 =	sadd.s32 s4, s22  }
0x6b: {  	[tilespmem:s23+$0xA540] =	vst v2;
	s22 =	smul.u32 $0xC80, s22  }
0x6c: {  	[tilespmem:s23+$0xA550] =	vst v0  }
0x6d: {  	[tilespmem:s23+$0xA560] =	vst v1;
	s22 =	sadd.s32 s3, s22  }
0x6e: {  	[hbm4b:s22+s5] =	stream.linear.scatter [tilespmem:s14], [sflag:$0x3], $0x6400, $0x38;
	[tilespmem:$0x16C80] =	vst v63  }
0x6f: {  	s22 =	simm.s32 @!p0 $0x4  }
0x70: {  	s21 =	sadd.s32 $0x2, s21;
	_ =	swait.ge @!p0 [sflag:s22], $0x6400  }
0x71: {  	s30 =	sshll.u32 s21, $0x7;
	[sflag:s22] =	ssyncset.done @!p0 $0x0  }
0x72: {  	s31 =	sand.u32 $0x3FFFFF80, s30;
	[sflag:s22] =	ssyncadd.s32 @!p0 $0xFFFF9C00  }
0x73: {  	v3 =	vld [tilespmem:s31+$0x80]  }
0x74: {  	v4 =	vld [tilespmem:s31+$0x90]  }
0x75: {  	v5 =	vld [tilespmem:s31+$0xA0]  }
0x76: {  	v7 =	vld [tilespmem:s31+$0xF0]  }
0x77: {  	v6 =	vld [tilespmem:s31+$0xB0]  }
0x78: {  	v2 =	vld [tilespmem:s31+$0xC0]  }
0x79: {  	v0 =	vld [tilespmem:s31+$0xD0]  }
0x7a: {  	s23 =	simm.s32 $0x400;
	s22 =	simm.s32 $0x0;
	v1 =	vld [tilespmem:s31+$0xE0]  }
.LBB2_7:
0x7b: {  	p0 =	sne.s32 s23, $0x18C00;
	[tilespmem:s22+$0x10970] =	vst v7  }
0x7c: {  	[tilespmem:s22+$0x10880] =	vst v3  }
0x7d: {  	[tilespmem:s22+$0x10890] =	vst v4  }
0x7e: {  	[tilespmem:s22+$0x108A0] =	vst v5  }
0x7f: {  	[tilespmem:s22+$0x108B0] =	vst v6  }
0x80: {  	[tilespmem:s22+$0x108C0] =	vst v2  }
0x81: {  	[tilespmem:s22+$0x108D0] =	vst v0  }
0x82: {  	[tilespmem:s22+$0x108E0] =	vst v1  }
0x83: {  	[tilespmem:s22+$0x108F0] =	vst v7  }
0x84: {  	[tilespmem:s22+$0x10900] =	vst v3  }
0x85: {  	[tilespmem:s22+$0x10910] =	vst v4  }
.Ltmp2:
0x86: {  	[tilespmem:s22+$0x10920] =	vst v5;
	(pc) =	sbr.rel @p0 .LBB2_7-.Ltmp2, $4  }
0x87: {  	[tilespmem:s22+$0x10930] =	vst v6  }
0x88: {  	[tilespmem:s22+$0x10940] =	vst v2  }
0x89: {  	[tilespmem:s22+$0x10950] =	vst v0  }
0x8a: {  	[tilespmem:s22+$0x10960] =	vst v1;
	s22 =	sshra.s32 s23, $0x2;
	s23 =	sadd.s32 $0x400, s23  }
0x8b: {  	[tilespmem:s22+$0x10970] =	vst v7  }
0x8c: {  	[tilespmem:s22+$0x10880] =	vst v3  }
0x8d: {  	[tilespmem:s22+$0x10890] =	vst v4  }
0x8e: {  	[tilespmem:s22+$0x108A0] =	vst v5  }
0x8f: {  	[tilespmem:s22+$0x108B0] =	vst v6  }
0x90: {  	[tilespmem:s22+$0x108C0] =	vst v2  }
0x91: {  	[tilespmem:s22+$0x108D0] =	vst v0  }
0x92: {  	[tilespmem:s22+$0x108E0] =	vst v1  }
0x93: {  	[tilespmem:s22+$0x108F0] =	vst v7  }
0x94: {  	[tilespmem:s22+$0x10900] =	vst v3  }
0x95: {  	[tilespmem:s22+$0x10910] =	vst v4;
	s20 =	sadd.s32 $0x1, s20  }
0x96: {  	[tilespmem:s22+$0x10920] =	vst v5;
	p0 =	sne.s32 s20, $0x2A  }
.Ltmp3:
0x97: {  	[tilespmem:s22+$0x10930] =	vst v6;
	s21 =	sadd.s32 s4, s21;
	(pc) =	sbr.rel @p0 .LBB2_2-.Ltmp3, $4  }
0x98: {  	[tilespmem:s22+$0x10940] =	vst v2;
	s21 =	smul.u32 $0xC80, s21  }
0x99: {  	[tilespmem:s22+$0x10950] =	vst v0  }
0x9a: {  	[tilespmem:s22+$0x10960] =	vst v1;
	s21 =	sadd.s32 s3, s21  }
0x9b: {  	[hbm4b:s21+s5] =	stream.linear.scatter [tilespmem:s15], [sflag:$0x4], $0x6400, $0x38;
	[tilespmem:$0x16C80] =	vst v63  }
0x9c: {  	_ =	swait.ge [sflag:s16], $0x6400  }
0x9d: {  	[sflag:s16] =	ssyncset.done $0x0  }
0x9e: {  	[sflag:s16] =	ssyncadd.s32 $0xFFFF9C00  }
0x9f: {  	v0 =	vld [tilespmem:$0x3F80]  }
0xa0: {  	v1 =	vld [tilespmem:$0x3F90]  }
0xa1: {  	v2 =	vld [tilespmem:$0x3FA0]  }
0xa2: {  	v7 =	vld [tilespmem:$0x3FF0]  }
0xa3: {  	v3 =	vld [tilespmem:$0x3FB0]  }
0xa4: {  	v4 =	vld [tilespmem:$0x3FC0]  }
0xa5: {  	v5 =	vld [tilespmem:$0x3FD0]  }
0xa6: {  	s20 =	simm.s32 $0x0;
	s21 =	simm.s32 $0x400;
	v6 =	vld [tilespmem:$0x3FE0]  }
.LBB2_10:
0xa7: {  	p0 =	sne.s32 s21, $0x18C00;
	[tilespmem:s20+$0x4170] =	vst v7  }
0xa8: {  	[tilespmem:s20+$0x4080] =	vst v0  }
0xa9: {  	[tilespmem:s20+$0x4090] =	vst v1  }
0xaa: {  	[tilespmem:s20+$0x40A0] =	vst v2  }
0xab: {  	[tilespmem:s20+$0x40B0] =	vst v3  }
0xac: {  	[tilespmem:s20+$0x40C0] =	vst v4  }
0xad: {  	[tilespmem:s20+$0x40D0] =	vst v5  }
0xae: {  	[tilespmem:s20+$0x40E0] =	vst v6  }
0xaf: {  	[tilespmem:s20+$0x40F0] =	vst v7  }
0xb0: {  	[tilespmem:s20+$0x4100] =	vst v0  }
0xb1: {  	[tilespmem:s20+$0x4110] =	vst v1  }
.Ltmp4:
0xb2: {  	[tilespmem:s20+$0x4120] =	vst v2;
	(pc) =	sbr.rel @p0 .LBB2_10-.Ltmp4, $4  }
0xb3: {  	[tilespmem:s20+$0x4130] =	vst v3  }
0xb4: {  	[tilespmem:s20+$0x4140] =	vst v4  }
0xb5: {  	[tilespmem:s20+$0x4150] =	vst v5  }
0xb6: {  	[tilespmem:s20+$0x4160] =	vst v6;
	s20 =	sshra.s32 s21, $0x2;
	s21 =	sadd.s32 $0x400, s21  }
0xb7: {  	[tilespmem:s20+$0x4170] =	vst v7  }
0xb8: {  	[tilespmem:s20+$0x4080] =	vst v0  }
0xb9: {  	[tilespmem:s20+$0x4090] =	vst v1  }
0xba: {  	[tilespmem:s20+$0x40A0] =	vst v2  }
0xbb: {  	[tilespmem:s20+$0x40B0] =	vst v3  }
0xbc: {  	[tilespmem:s20+$0x40C0] =	vst v4  }
0xbd: {  	[tilespmem:s20+$0x40D0] =	vst v5  }
0xbe: {  	[tilespmem:s20+$0x40E0] =	vst v6  }
0xbf: {  	[tilespmem:s20+$0x40F0] =	vst v7  }
0xc0: {  	[tilespmem:s20+$0x4100] =	vst v0  }
0xc1: {  	[tilespmem:s20+$0x4110] =	vst v1  }
0xc2: {  	[tilespmem:s20+$0x4120] =	vst v2  }
0xc3: {  	[tilespmem:s20+$0x4130] =	vst v3  }
0xc4: {  	[tilespmem:s20+$0x4140] =	vst v4  }
0xc5: {  	[tilespmem:s20+$0x4150] =	vst v5  }
0xc6: {  	[tilespmem:s20+$0x4160] =	vst v6;
	s31 =	simm.s32 $0x0  }
0xc7: {  	[hbm4b:s7+s31] =	stream.linear.scatter [tilespmem:s13], [sflag:$0x2], $0x6400, $0x38;
	[tilespmem:$0x16C80] =	vst v63  }
0xc8: {  	_ =	swait.ge [sflag:s17], $0x6400  }
0xc9: {  	[sflag:s17] =	ssyncset.done $0x0  }
0xca: {  	[sflag:s17] =	ssyncadd.s32 $0xFFFF9C00  }
0xcb: {  	v0 =	vld [tilespmem:$0x4000]  }
0xcc: {  	v1 =	vld [tilespmem:$0x4010]  }
0xcd: {  	v2 =	vld [tilespmem:$0x4020]  }
0xce: {  	v7 =	vld [tilespmem:$0x4070]  }
0xcf: {  	v3 =	vld [tilespmem:$0x4030]  }
0xd0: {  	v4 =	vld [tilespmem:$0x4040]  }
0xd1: {  	v5 =	vld [tilespmem:$0x4050]  }
0xd2: {  	s20 =	simm.s32 $0x0;
	s21 =	simm.s32 $0x400;
	v6 =	vld [tilespmem:$0x4060]  }
.LBB2_12:
0xd3: {  	p0 =	sne.s32 s21, $0x18C00;
	[tilespmem:s20+$0xA570] =	vst v7  }
0xd4: {  	[tilespmem:s20+$0xA480] =	vst v0  }
0xd5: {  	[tilespmem:s20+$0xA490] =	vst v1  }
0xd6: {  	[tilespmem:s20+$0xA4A0] =	vst v2  }
0xd7: {  	[tilespmem:s20+$0xA4B0] =	vst v3  }
0xd8: {  	[tilespmem:s20+$0xA4C0] =	vst v4  }
0xd9: {  	[tilespmem:s20+$0xA4D0] =	vst v5  }
0xda: {  	[tilespmem:s20+$0xA4E0] =	vst v6  }
0xdb: {  	[tilespmem:s20+$0xA4F0] =	vst v7  }
0xdc: {  	[tilespmem:s20+$0xA500] =	vst v0  }
0xdd: {  	[tilespmem:s20+$0xA510] =	vst v1  }
.Ltmp5:
0xde: {  	[tilespmem:s20+$0xA520] =	vst v2;
	(pc) =	sbr.rel @p0 .LBB2_12-.Ltmp5, $4  }
0xdf: {  	[tilespmem:s20+$0xA530] =	vst v3  }
0xe0: {  	[tilespmem:s20+$0xA540] =	vst v4  }
0xe1: {  	[tilespmem:s20+$0xA550] =	vst v5  }
0xe2: {  	[tilespmem:s20+$0xA560] =	vst v6;
	s20 =	sshra.s32 s21, $0x2;
	s21 =	sadd.s32 $0x400, s21  }
0xe3: {  	[tilespmem:s20+$0xA570] =	vst v7  }
0xe4: {  	[tilespmem:s20+$0xA480] =	vst v0  }
0xe5: {  	[tilespmem:s20+$0xA490] =	vst v1  }
0xe6: {  	[tilespmem:s20+$0xA4A0] =	vst v2  }
0xe7: {  	[tilespmem:s20+$0xA4B0] =	vst v3  }
0xe8: {  	[tilespmem:s20+$0xA4C0] =	vst v4  }
0xe9: {  	[tilespmem:s20+$0xA4D0] =	vst v5  }
0xea: {  	[tilespmem:s20+$0xA4E0] =	vst v6  }
0xeb: {  	[tilespmem:s20+$0xA4F0] =	vst v7  }
0xec: {  	[tilespmem:s20+$0xA500] =	vst v0  }
0xed: {  	[tilespmem:s20+$0xA510] =	vst v1  }
0xee: {  	[tilespmem:s20+$0xA520] =	vst v2  }
0xef: {  	[tilespmem:s20+$0xA530] =	vst v3  }
0xf0: {  	[tilespmem:s20+$0xA540] =	vst v4  }
0xf1: {  	[tilespmem:s20+$0xA550] =	vst v5  }
0xf2: {  	[tilespmem:s20+$0xA560] =	vst v6  }
0xf3: {  	[hbm4b:s8+s5] =	stream.linear.scatter [tilespmem:s14], [sflag:$0x3], $0x6400, $0x38;
	[tilespmem:$0x16C80] =	vst v63  }
0xf4: {  	_ =	swait.ge [sflag:s16], $0x6400  }
0xf5: {  	[sflag:s16] =	ssyncset.done $0x0  }
0xf6: {  	s19 =	sadd.s32 $0x1, s19;
	[sflag:s16] =	ssyncadd.s32 $0xFFFF9C00  }
0xf7: {  	p0 =	sne.s32 s19, s9;
	_ =	swait.ge [sflag:s17], $0x6400  }
.Ltmp6:
0xf8: {  	[sflag:s17] =	ssyncset.done $0x0;
	(pc) =	sbr.rel @p0 .LBB2_1-.Ltmp6, $4  }
0xf9: {  	[sflag:s17] =	ssyncadd.s32 $0xFFFF9C00  }
0xfa: {  	_ =	swait.ge [sflag:s18], $0x6400  }
0xfb: {  	[sflag:s18] =	ssyncset.done $0x0  }
0xfc: {  	[sflag:s18] =	ssyncadd.s32 $0xFFFF9C00  }
0xfd: {  	_ =	sfence.sel $0x180000  }
0xfe: {  	[bflag:$0x0] =	sbarrier.arrive $0xFFFF  }
0xff: {  	p0 =	sne.s32 s0, $0x0;
	_ =	strace $0x90000047  }
0x100: {  	s0 =	sadd.s32 @!p0 $0x100000, s1;
	[bflag:$0x2] =	sbarrier.arrive $0xFFFF  }
0x101: {  	[sflag:s0] =	ssyncadd.tile.s32 @!p0 $0x1;
	_ =	shalt  }
.Lfunc_end2:
_tile_overlayer_lowered:
.L_overlay_start_2:
0x102: {  	(tag) =	ssettag $0x2  }
0x103: {  	s0 =	rddreg [dreg:$0x0];
	s2 =	stileid.u32  }
0x104: {  	s1 =	rddreg [dreg:$0x1];
	p0 =	sne.s32 s2, $0x0  }
0x105: {  	s3 =	rddreg [dreg:$0x2];
	[bflag:$0x3] =	sbarrier.arrive $0xFFFF;
	s2 =	simm.s32 @!p0 $0x1C05  }
0x106: {  	[timem:s3], [sflag:s2] =	dma.local @!p0 [hbm:s0], s1  }
0x107: {  	s0 =	simm.s32 @!p0 $0x5  }
0x108: {  	_ =	swait.ge @!p0 [sflag:s0], s1  }
0x109: {  	s1 =	ssub.s32 @!p0 $0x0, s1;
	[sflag:s0] =	ssyncset.done @!p0 $0x0  }
0x10a: {  	[sflag:s0] =	ssyncadd.s32 @!p0 s1  }
0x10b: {  	[bflag:$0x3] =	sbarrier.arrive $0xFFFF  }
0x10c: {  	_ =	shalt  }

</sc_bundles>
